<compile_context>
chip_gen: v7x
topology: tpu7x:2x2x1
jax: 0.10.2.dev20260603
libtpu: 0.0.44.dev20260713+nightly
codegen_flags: <defaults>
</compile_context>

<pallas_src>
import functools

import jax
import jax.numpy as jnp
from jax import lax
from jax.experimental import pallas as pl
from jax.experimental.pallas import tpu as pltpu
from jax.experimental.pallas import tpu_sc as plsc

_D = 64
_C = 400


@functools.cache
def _lookup_fn(n):
    info = plsc.get_sparse_core_info()
    nw = info.num_cores * info.num_subcores
    per_w = n // nw
    chunks = per_w // _C
    pairs = chunks // 2
    assert per_w * nw == n and pairs * 2 * _C == per_w

    mesh = plsc.VectorSubcoreMesh(core_axis_name="c", subcore_axis_name="s")

    @functools.partial(
        pl.kernel,
        mesh=mesh,
        compiler_params=pltpu.CompilerParams(use_tc_tiling_on_sc=False),
        out_type=jax.ShapeDtypeStruct((n, 2 * _D), jnp.float32),
        scratch_types=[
            [pltpu.VMEM((_C,), jnp.int32) for _ in range(2)],
            [pltpu.VMEM((_C,), jnp.int32) for _ in range(2)],
            [pltpu.VMEM((_C, _D), jnp.float32) for _ in range(2)],
            [pltpu.VMEM((_C, _D), jnp.float32) for _ in range(2)],
            [pltpu.SemaphoreType.DMA for _ in range(2)],
            [pltpu.SemaphoreType.DMA for _ in range(2)],
            [pltpu.SemaphoreType.DMA for _ in range(2)],
            [pltpu.SemaphoreType.DMA for _ in range(2)],
        ],
    )
    def k(tok, pos, ttab, ptab, out,
          idx_t, idx_p, rows_t, rows_p, gsem, wsem_t, wsem_p, isem):
        wid = lax.axis_index("s") * info.num_cores + lax.axis_index("c")
        w_base = wid * per_w
        last_base = w_base + per_w - _C

        def fire_idx(i, s):
            base = jnp.minimum(w_base + i * _C, last_base)
            pltpu.async_copy(tok.at[pl.ds(base, _C)], idx_t[s], isem[s])
            pltpu.async_copy(pos.at[pl.ds(base, _C)], idx_p[s], isem[s])

        def drain_idx(s):
            pltpu.make_async_copy(tok.at[pl.ds(0, _C)], idx_t[s], isem[s]).wait()
            pltpu.make_async_copy(pos.at[pl.ds(0, _C)], idx_p[s], isem[s]).wait()

        def fire_writes(i, s):
            base = w_base + i * _C
            pltpu.async_copy(rows_t[s], out.at[pl.ds(base, _C), pl.ds(0, _D)], wsem_t[s])
            pltpu.async_copy(rows_p[s], out.at[pl.ds(base, _C), pl.ds(_D, _D)], wsem_p[s])

        def drain_writes(s):
            pltpu.make_async_copy(
                rows_t[s], out.at[pl.ds(0, _C), pl.ds(0, _D)], wsem_t[s]).wait()
            pltpu.make_async_copy(
                rows_p[s], out.at[pl.ds(0, _C), pl.ds(_D, _D)], wsem_p[s]).wait()

        for s in range(2):
            fire_idx(s, s)
        for s in range(2):
            drain_idx(s)
            ct = pltpu.async_copy(ttab.at[idx_t[s]], rows_t[s], gsem[s])
            cp = pltpu.async_copy(ptab.at[idx_p[s]], rows_p[s], gsem[s])
            ct.wait()
            cp.wait()
            fire_idx(2 + s, s)
            fire_writes(s, s)

        def body(j, carry):
            for s in range(2):
                i = 2 * j + s
                drain_idx(s)
                drain_writes(s)
                ct = pltpu.async_copy(ttab.at[idx_t[s]], rows_t[s], gsem[s])
                cp = pltpu.async_copy(ptab.at[idx_p[s]], rows_p[s], gsem[s])
                ct.wait()
                cp.wait()
                fire_idx(i + 2, s)
                fire_writes(i, s)
            return carry

        lax.fori_loop(1, pairs, body, 0)
        for s in range(2):
            drain_idx(s)
            drain_writes(s)

    return k


def kernel(tokens, pos, token_table, pos_table):
    B, L = tokens.shape
    n = B * L
    fn = _lookup_fn(n)
    out = fn(tokens.reshape(n), pos.reshape(n), token_table, pos_table)
    return out.reshape(B, L, 2 * _D)

# --- scband reference (transcript-rebuilt; emitter-appended) ---
"""Pipeline reference for scband-embedding-layer-9302899163791 (READ-ONLY COPY).

The authoritative reference and input builder live on the scoring server;
editing this copy changes nothing except your own understanding.
"""

import jax, jax.numpy as jnp
import numpy as np

TOKEN_VOCAB = 1000000
POS_VOCAB = 2048
TOKEN_EMB = 64
POS_EMB = 64
B, L = 4096, 200


def setup_inputs(seed: int = 0) -> dict:
    key = jax.random.key(seed)
    k1, k2, k3, k4 = jax.random.split(key, 4)
    tokens = jax.random.randint(k1, (B, L), 0, TOKEN_VOCAB, dtype=jnp.int64 if jax.config.jax_enable_x64 else jnp.int32).astype(jnp.int32)
    pos = jax.random.randint(k2, (B, L), 0, POS_VOCAB, dtype=jnp.int32)
    token_table = jax.random.normal(k3, (TOKEN_VOCAB, TOKEN_EMB), dtype=jnp.float32) * 0.02
    pos_table = jax.random.normal(k4, (POS_VOCAB, POS_EMB), dtype=jnp.float32) * 0.02
    # padding_idx rows are zero-initialized in torch nn.Embedding
    token_table = token_table.at[0].set(0.0)
    pos_table = pos_table.at[0].set(0.0)
    return {"tokens": tokens, "pos": pos, "token_table": token_table, "pos_table": pos_table}


def reference(tokens, pos, token_table, pos_table):
    # token embedding lookup (gather)
    tok_emb = jnp.take(token_table, tokens, axis=0)  # [B, L, TOKEN_EMB]
    pos_emb = jnp.take(pos_table, pos, axis=0)       # [B, L, POS_EMB]
    out = jnp.concatenate((tok_emb, pos_emb), axis=-1)  # [B, L, TOKEN_EMB+POS_EMB]
    # dropout is identity in eval mode
    return out

if __name__ == "__main__":
    import jax
    _d = setup_inputs()
    print(jax.jit(kernel)(*tuple(_d.values())))

</pallas_src>

<mosaic_0001>
#map = affine_map<(d0, d1) -> (0)>
#map1 = affine_map<(d0, d1) -> (0, 0)>
module attributes {stable_mosaic.version = 14 : i64} {
  func.func @k(%arg0: i32, %arg1: i32, %arg2: memref<819200xi32, #tpu.memory_space<hbm>>, %arg3: memref<819200xi32, #tpu.memory_space<hbm>>, %arg4: memref<1000000x64xf32, #tpu.memory_space<hbm>>, %arg5: memref<2048x64xf32, #tpu.memory_space<hbm>>, %arg6: memref<819200x128xf32, #tpu.memory_space<hbm>>, %arg7: memref<400xi32, #tpu.memory_space<vmem>>, %arg8: memref<400xi32, #tpu.memory_space<vmem>>, %arg9: memref<400xi32, #tpu.memory_space<vmem>>, %arg10: memref<400xi32, #tpu.memory_space<vmem>>, %arg11: memref<400x64xf32, #tpu.memory_space<vmem>>, %arg12: memref<400x64xf32, #tpu.memory_space<vmem>>, %arg13: memref<400x64xf32, #tpu.memory_space<vmem>>, %arg14: memref<400x64xf32, #tpu.memory_space<vmem>>, %arg15: memref<!tpu.dma_semaphore, #tpu.memory_space<semaphore_mem>>, %arg16: memref<!tpu.dma_semaphore, #tpu.memory_space<semaphore_mem>>, %arg17: memref<!tpu.dma_semaphore, #tpu.memory_space<semaphore_mem>>, %arg18: memref<!tpu.dma_semaphore, #tpu.memory_space<semaphore_mem>>, %arg19: memref<!tpu.dma_semaphore, #tpu.memory_space<semaphore_mem>>, %arg20: memref<!tpu.dma_semaphore, #tpu.memory_space<semaphore_mem>>, %arg21: memref<!tpu.dma_semaphore, #tpu.memory_space<semaphore_mem>>, %arg22: memref<!tpu.dma_semaphore, #tpu.memory_space<semaphore_mem>>) attributes {dimension_semantics = [#tpu.dimension_semantics<core_parallel>, #tpu.dimension_semantics<subcore_parallel>], iteration_bounds = array<i64: 2, 16>, scalar_prefetch = 0 : i64, scratch_operands = 16 : i64, tpu.core_type = #tpu.core_type<sc_vector_subcore>, window_params = [{transform_indices = #map}, {transform_indices = #map}, {transform_indices = #map1}, {transform_indices = #map1}, {transform_indices = #map1}]} {
    %mul3A = arith.constant 2 : i32
    %mul3A_0 = arith.muli %arg1, %mul3A : i32
    %add3A = arith.addi %mul3A_0, %arg0 : i32
    %mul3A_1 = arith.constant 25600 : i32
    %mul3A_2 = arith.muli %add3A, %mul3A_1 : i32
    %add3A_3 = arith.constant 25600 : i32
    %add3A_4 = arith.addi %mul3A_2, %add3A_3 : i32
    %sub3A = arith.constant 400 : i32
    %sub3A_5 = arith.subi %add3A_4, %sub3A : i32
    %add3A_6 = arith.constant 0 : i32
    %add3A_7 = arith.addi %mul3A_2, %add3A_6 : i32
    %min3A = arith.minsi %add3A_7, %sub3A_5 : i32
    %dma_start3A = tpu.memref_slice %arg2[%min3A] : memref<819200xi32, #tpu.memory_space<hbm>> -> memref<400xi32, #tpu.memory_space<hbm>>
    %dma_start3A_8 = tpu.memref_slice %arg2[%min3A] : memref<819200xi32, #tpu.memory_space<hbm>> -> memref<400xi32, #tpu.memory_space<hbm>>
    tpu.enqueue_dma source(%dma_start3A_8 : memref<400xi32, #tpu.memory_space<hbm>>) target(%arg7 : memref<400xi32, #tpu.memory_space<vmem>>) target_semaphore(%arg21 : memref<!tpu.dma_semaphore, #tpu.memory_space<semaphore_mem>>)
    %dma_start3A_9 = tpu.memref_slice %arg3[%min3A] : memref<819200xi32, #tpu.memory_space<hbm>> -> memref<400xi32, #tpu.memory_space<hbm>>
    %dma_start3A_10 = tpu.memref_slice %arg3[%min3A] : memref<819200xi32, #tpu.memory_space<hbm>> -> memref<400xi32, #tpu.memory_space<hbm>>
    tpu.enqueue_dma source(%dma_start3A_10 : memref<400xi32, #tpu.memory_space<hbm>>) target(%arg9 : memref<400xi32, #tpu.memory_space<vmem>>) target_semaphore(%arg21 : memref<!tpu.dma_semaphore, #tpu.memory_space<semaphore_mem>>)
    %add3A_11 = arith.constant 400 : i32
    %add3A_12 = arith.addi %mul3A_2, %add3A_11 : i32
    %min3A_13 = arith.minsi %add3A_12, %sub3A_5 : i32
    %dma_start3A_14 = tpu.memref_slice %arg2[%min3A_13] : memref<819200xi32, #tpu.memory_space<hbm>> -> memref<400xi32, #tpu.memory_space<hbm>>
    %dma_start3A_15 = tpu.memref_slice %arg2[%min3A_13] : memref<819200xi32, #tpu.memory_space<hbm>> -> memref<400xi32, #tpu.memory_space<hbm>>
    tpu.enqueue_dma source(%dma_start3A_15 : memref<400xi32, #tpu.memory_space<hbm>>) target(%arg8 : memref<400xi32, #tpu.memory_space<vmem>>) target_semaphore(%arg22 : memref<!tpu.dma_semaphore, #tpu.memory_space<semaphore_mem>>)
    %dma_start3A_16 = tpu.memref_slice %arg3[%min3A_13] : memref<819200xi32, #tpu.memory_space<hbm>> -> memref<400xi32, #tpu.memory_space<hbm>>
    %dma_start3A_17 = tpu.memref_slice %arg3[%min3A_13] : memref<819200xi32, #tpu.memory_space<hbm>> -> memref<400xi32, #tpu.memory_space<hbm>>
    tpu.enqueue_dma source(%dma_start3A_17 : memref<400xi32, #tpu.memory_space<hbm>>) target(%arg10 : memref<400xi32, #tpu.memory_space<vmem>>) target_semaphore(%arg22 : memref<!tpu.dma_semaphore, #tpu.memory_space<semaphore_mem>>)
    %dma_wait3A = arith.constant 0 : i32
    %dma_wait3A_18 = tpu.memref_slice %arg2[%dma_wait3A] : memref<819200xi32, #tpu.memory_space<hbm>> -> memref<400xi32, #tpu.memory_space<hbm>>
    %dma_wait3A_19 = arith.constant 0 : i32
    %dma_wait3A_20 = tpu.memref_slice %arg2[%dma_wait3A_19] : memref<819200xi32, #tpu.memory_space<hbm>> -> memref<400xi32, #tpu.memory_space<hbm>>
    tpu.wait_dma2 semaphore(%arg21 : memref<!tpu.dma_semaphore, #tpu.memory_space<semaphore_mem>>) src(%dma_wait3A_20 : memref<400xi32, #tpu.memory_space<hbm>>) dst(%arg7 : memref<400xi32, #tpu.memory_space<vmem>>)
    %dma_wait3A_21 = arith.constant 0 : i32
    %dma_wait3A_22 = tpu.memref_slice %arg3[%dma_wait3A_21] : memref<819200xi32, #tpu.memory_space<hbm>> -> memref<400xi32, #tpu.memory_space<hbm>>
    %dma_wait3A_23 = arith.constant 0 : i32
    %dma_wait3A_24 = tpu.memref_slice %arg3[%dma_wait3A_23] : memref<819200xi32, #tpu.memory_space<hbm>> -> memref<400xi32, #tpu.memory_space<hbm>>
    tpu.wait_dma2 semaphore(%arg21 : memref<!tpu.dma_semaphore, #tpu.memory_space<semaphore_mem>>) src(%dma_wait3A_24 : memref<400xi32, #tpu.memory_space<hbm>>) dst(%arg9 : memref<400xi32, #tpu.memory_space<vmem>>)
    %dma_start3A_25 = arith.constant 0 : i32
    %dma_start3A_26 = arith.constant 0 : i32
    %dma_start3A_27 = tpu.memref_slice %arg4[%dma_start3A_25, %dma_start3A_26] : memref<1000000x64xf32, #tpu.memory_space<hbm>> -> memref<1000000x64xf32, #tpu.memory_space<hbm>>
    tpu.enqueue_indirect_dma source(%dma_start3A_27 : memref<1000000x64xf32, #tpu.memory_space<hbm>>) target(%arg11 : memref<400x64xf32, #tpu.memory_space<vmem>>) offsets(%arg7 : memref<400xi32, #tpu.memory_space<vmem>>) semaphore(%arg15 : memref<!tpu.dma_semaphore, #tpu.memory_space<semaphore_mem>>)
    %dma_start3A_28 = arith.constant 0 : i32
    %dma_start3A_29 = arith.constant 0 : i32
    %dma_start3A_30 = tpu.memref_slice %arg5[%dma_start3A_28, %dma_start3A_29] : memref<2048x64xf32, #tpu.memory_space<hbm>> -> memref<2048x64xf32, #tpu.memory_space<hbm>>
    tpu.enqueue_indirect_dma source(%dma_start3A_30 : memref<2048x64xf32, #tpu.memory_space<hbm>>) target(%arg13 : memref<400x64xf32, #tpu.memory_space<vmem>>) offsets(%arg9 : memref<400xi32, #tpu.memory_space<vmem>>) semaphore(%arg15 : memref<!tpu.dma_semaphore, #tpu.memory_space<semaphore_mem>>)
    %dma_wait3A_31 = arith.constant 0 : i32
    %dma_wait3A_32 = arith.constant 0 : i32
    %dma_wait3A_33 = tpu.memref_slice %arg4[%dma_wait3A_31, %dma_wait3A_32] : memref<1000000x64xf32, #tpu.memory_space<hbm>> -> memref<1000000x64xf32, #tpu.memory_space<hbm>>
    tpu.wait_indirect_dma semaphore(%arg15 : memref<!tpu.dma_semaphore, #tpu.memory_space<semaphore_mem>>) src(%dma_wait3A_33 : memref<1000000x64xf32, #tpu.memory_space<hbm>>) dst(%arg11 : memref<400x64xf32, #tpu.memory_space<vmem>>)
    %dma_wait3A_34 = arith.constant 0 : i32
    %dma_wait3A_35 = arith.constant 0 : i32
    %dma_wait3A_36 = tpu.memref_slice %arg5[%dma_wait3A_34, %dma_wait3A_35] : memref<2048x64xf32, #tpu.memory_space<hbm>> -> memref<2048x64xf32, #tpu.memory_space<hbm>>
    tpu.wait_indirect_dma semaphore(%arg15 : memref<!tpu.dma_semaphore, #tpu.memory_space<semaphore_mem>>) src(%dma_wait3A_36 : memref<2048x64xf32, #tpu.memory_space<hbm>>) dst(%arg13 : memref<400x64xf32, #tpu.memory_space<vmem>>)
    %add3A_37 = arith.constant 800 : i32
    %add3A_38 = arith.addi %mul3A_2, %add3A_37 : i32
    %min3A_39 = arith.minsi %add3A_38, %sub3A_5 : i32
    %dma_start3A_40 = tpu.memref_slice %arg2[%min3A_39] : memref<819200xi32, #tpu.memory_space<hbm>> -> memref<400xi32, #tpu.memory_space<hbm>>
    %dma_start3A_41 = tpu.memref_slice %arg2[%min3A_39] : memref<819200xi32, #tpu.memory_space<hbm>> -> memref<400xi32, #tpu.memory_space<hbm>>
    tpu.enqueue_dma source(%dma_start3A_41 : memref<400xi32, #tpu.memory_space<hbm>>) target(%arg7 : memref<400xi32, #tpu.memory_space<vmem>>) target_semaphore(%arg21 : memref<!tpu.dma_semaphore, #tpu.memory_space<semaphore_mem>>)
    %dma_start3A_42 = tpu.memref_slice %arg3[%min3A_39] : memref<819200xi32, #tpu.memory_space<hbm>> -> memref<400xi32, #tpu.memory_space<hbm>>
    %dma_start3A_43 = tpu.memref_slice %arg3[%min3A_39] : memref<819200xi32, #tpu.memory_space<hbm>> -> memref<400xi32, #tpu.memory_space<hbm>>
    tpu.enqueue_dma source(%dma_start3A_43 : memref<400xi32, #tpu.memory_space<hbm>>) target(%arg9 : memref<400xi32, #tpu.memory_space<vmem>>) target_semaphore(%arg21 : memref<!tpu.dma_semaphore, #tpu.memory_space<semaphore_mem>>)
    %add3A_44 = arith.constant 0 : i32
    %add3A_45 = arith.addi %mul3A_2, %add3A_44 : i32
    %dma_start3A_46 = arith.constant 0 : i32
    %dma_start3A_47 = tpu.memref_slice %arg6[%add3A_45, %dma_start3A_46] : memref<819200x128xf32, #tpu.memory_space<hbm>> -> memref<400x64xf32, #tpu.memory_space<hbm>>
    %dma_start3A_48 = arith.constant 0 : i32
    %dma_start3A_49 = tpu.memref_slice %arg6[%add3A_45, %dma_start3A_48] : memref<819200x128xf32, #tpu.memory_space<hbm>> -> memref<400x64xf32, #tpu.memory_space<hbm>>
    tpu.enqueue_dma source(%arg11 : memref<400x64xf32, #tpu.memory_space<vmem>>) target(%dma_start3A_49 : memref<400x64xf32, #tpu.memory_space<hbm>>) target_semaphore(%arg17 : memref<!tpu.dma_semaphore, #tpu.memory_space<semaphore_mem>>)
    %dma_start3A_50 = arith.constant 64 : i32
    %dma_start3A_51 = tpu.memref_slice %arg6[%add3A_45, %dma_start3A_50] : memref<819200x128xf32, #tpu.memory_space<hbm>> -> memref<400x64xf32, #tpu.memory_space<hbm>>
    %dma_start3A_52 = arith.constant 64 : i32
    %dma_start3A_53 = tpu.memref_slice %arg6[%add3A_45, %dma_start3A_52] : memref<819200x128xf32, #tpu.memory_space<hbm>> -> memref<400x64xf32, #tpu.memory_space<hbm>>
    tpu.enqueue_dma source(%arg13 : memref<400x64xf32, #tpu.memory_space<vmem>>) target(%dma_start3A_53 : memref<400x64xf32, #tpu.memory_space<hbm>>) target_semaphore(%arg19 : memref<!tpu.dma_semaphore, #tpu.memory_space<semaphore_mem>>)
    %dma_wait3A_54 = arith.constant 0 : i32
    %dma_wait3A_55 = tpu.memref_slice %arg2[%dma_wait3A_54] : memref<819200xi32, #tpu.memory_space<hbm>> -> memref<400xi32, #tpu.memory_space<hbm>>
    %dma_wait3A_56 = arith.constant 0 : i32
    %dma_wait3A_57 = tpu.memref_slice %arg2[%dma_wait3A_56] : memref<819200xi32, #tpu.memory_space<hbm>> -> memref<400xi32, #tpu.memory_space<hbm>>
    tpu.wait_dma2 semaphore(%arg22 : memref<!tpu.dma_semaphore, #tpu.memory_space<semaphore_mem>>) src(%dma_wait3A_57 : memref<400xi32, #tpu.memory_space<hbm>>) dst(%arg8 : memref<400xi32, #tpu.memory_space<vmem>>)
    %dma_wait3A_58 = arith.constant 0 : i32
    %dma_wait3A_59 = tpu.memref_slice %arg3[%dma_wait3A_58] : memref<819200xi32, #tpu.memory_space<hbm>> -> memref<400xi32, #tpu.memory_space<hbm>>
    %dma_wait3A_60 = arith.constant 0 : i32
    %dma_wait3A_61 = tpu.memref_slice %arg3[%dma_wait3A_60] : memref<819200xi32, #tpu.memory_space<hbm>> -> memref<400xi32, #tpu.memory_space<hbm>>
    tpu.wait_dma2 semaphore(%arg22 : memref<!tpu.dma_semaphore, #tpu.memory_space<semaphore_mem>>) src(%dma_wait3A_61 : memref<400xi32, #tpu.memory_space<hbm>>) dst(%arg10 : memref<400xi32, #tpu.memory_space<vmem>>)
    %dma_start3A_62 = arith.constant 0 : i32
    %dma_start3A_63 = arith.constant 0 : i32
    %dma_start3A_64 = tpu.memref_slice %arg4[%dma_start3A_62, %dma_start3A_63] : memref<1000000x64xf32, #tpu.memory_space<hbm>> -> memref<1000000x64xf32, #tpu.memory_space<hbm>>
    tpu.enqueue_indirect_dma source(%dma_start3A_64 : memref<1000000x64xf32, #tpu.memory_space<hbm>>) target(%arg12 : memref<400x64xf32, #tpu.memory_space<vmem>>) offsets(%arg8 : memref<400xi32, #tpu.memory_space<vmem>>) semaphore(%arg16 : memref<!tpu.dma_semaphore, #tpu.memory_space<semaphore_mem>>)
    %dma_start3A_65 = arith.constant 0 : i32
    %dma_start3A_66 = arith.constant 0 : i32
    %dma_start3A_67 = tpu.memref_slice %arg5[%dma_start3A_65, %dma_start3A_66] : memref<2048x64xf32, #tpu.memory_space<hbm>> -> memref<2048x64xf32, #tpu.memory_space<hbm>>
    tpu.enqueue_indirect_dma source(%dma_start3A_67 : memref<2048x64xf32, #tpu.memory_space<hbm>>) target(%arg14 : memref<400x64xf32, #tpu.memory_space<vmem>>) offsets(%arg10 : memref<400xi32, #tpu.memory_space<vmem>>) semaphore(%arg16 : memref<!tpu.dma_semaphore, #tpu.memory_space<semaphore_mem>>)
    %dma_wait3A_68 = arith.constant 0 : i32
    %dma_wait3A_69 = arith.constant 0 : i32
    %dma_wait3A_70 = tpu.memref_slice %arg4[%dma_wait3A_68, %dma_wait3A_69] : memref<1000000x64xf32, #tpu.memory_space<hbm>> -> memref<1000000x64xf32, #tpu.memory_space<hbm>>
    tpu.wait_indirect_dma semaphore(%arg16 : memref<!tpu.dma_semaphore, #tpu.memory_space<semaphore_mem>>) src(%dma_wait3A_70 : memref<1000000x64xf32, #tpu.memory_space<hbm>>) dst(%arg12 : memref<400x64xf32, #tpu.memory_space<vmem>>)
    %dma_wait3A_71 = arith.constant 0 : i32
    %dma_wait3A_72 = arith.constant 0 : i32
    %dma_wait3A_73 = tpu.memref_slice %arg5[%dma_wait3A_71, %dma_wait3A_72] : memref<2048x64xf32, #tpu.memory_space<hbm>> -> memref<2048x64xf32, #tpu.memory_space<hbm>>
    tpu.wait_indirect_dma semaphore(%arg16 : memref<!tpu.dma_semaphore, #tpu.memory_space<semaphore_mem>>) src(%dma_wait3A_73 : memref<2048x64xf32, #tpu.memory_space<hbm>>) dst(%arg14 : memref<400x64xf32, #tpu.memory_space<vmem>>)
    %add3A_74 = arith.constant 1200 : i32
    %add3A_75 = arith.addi %mul3A_2, %add3A_74 : i32
    %min3A_76 = arith.minsi %add3A_75, %sub3A_5 : i32
    %dma_start3A_77 = tpu.memref_slice %arg2[%min3A_76] : memref<819200xi32, #tpu.memory_space<hbm>> -> memref<400xi32, #tpu.memory_space<hbm>>
    %dma_start3A_78 = tpu.memref_slice %arg2[%min3A_76] : memref<819200xi32, #tpu.memory_space<hbm>> -> memref<400xi32, #tpu.memory_space<hbm>>
    tpu.enqueue_dma source(%dma_start3A_78 : memref<400xi32, #tpu.memory_space<hbm>>) target(%arg8 : memref<400xi32, #tpu.memory_space<vmem>>) target_semaphore(%arg22 : memref<!tpu.dma_semaphore, #tpu.memory_space<semaphore_mem>>)
    %dma_start3A_79 = tpu.memref_slice %arg3[%min3A_76] : memref<819200xi32, #tpu.memory_space<hbm>> -> memref<400xi32, #tpu.memory_space<hbm>>
    %dma_start3A_80 = tpu.memref_slice %arg3[%min3A_76] : memref<819200xi32, #tpu.memory_space<hbm>> -> memref<400xi32, #tpu.memory_space<hbm>>
    tpu.enqueue_dma source(%dma_start3A_80 : memref<400xi32, #tpu.memory_space<hbm>>) target(%arg10 : memref<400xi32, #tpu.memory_space<vmem>>) target_semaphore(%arg22 : memref<!tpu.dma_semaphore, #tpu.memory_space<semaphore_mem>>)
    %add3A_81 = arith.constant 400 : i32
    %add3A_82 = arith.addi %mul3A_2, %add3A_81 : i32
    %dma_start3A_83 = arith.constant 0 : i32
    %dma_start3A_84 = tpu.memref_slice %arg6[%add3A_82, %dma_start3A_83] : memref<819200x128xf32, #tpu.memory_space<hbm>> -> memref<400x64xf32, #tpu.memory_space<hbm>>
    %dma_start3A_85 = arith.constant 0 : i32
    %dma_start3A_86 = tpu.memref_slice %arg6[%add3A_82, %dma_start3A_85] : memref<819200x128xf32, #tpu.memory_space<hbm>> -> memref<400x64xf32, #tpu.memory_space<hbm>>
    tpu.enqueue_dma source(%arg12 : memref<400x64xf32, #tpu.memory_space<vmem>>) target(%dma_start3A_86 : memref<400x64xf32, #tpu.memory_space<hbm>>) target_semaphore(%arg18 : memref<!tpu.dma_semaphore, #tpu.memory_space<semaphore_mem>>)
    %dma_start3A_87 = arith.constant 64 : i32
    %dma_start3A_88 = tpu.memref_slice %arg6[%add3A_82, %dma_start3A_87] : memref<819200x128xf32, #tpu.memory_space<hbm>> -> memref<400x64xf32, #tpu.memory_space<hbm>>
    %dma_start3A_89 = arith.constant 64 : i32
    %dma_start3A_90 = tpu.memref_slice %arg6[%add3A_82, %dma_start3A_89] : memref<819200x128xf32, #tpu.memory_space<hbm>> -> memref<400x64xf32, #tpu.memory_space<hbm>>
    tpu.enqueue_dma source(%arg14 : memref<400x64xf32, #tpu.memory_space<vmem>>) target(%dma_start3A_90 : memref<400x64xf32, #tpu.memory_space<hbm>>) target_semaphore(%arg20 : memref<!tpu.dma_semaphore, #tpu.memory_space<semaphore_mem>>)
    %scan3A = arith.constant 0 : i32
    %scan3A_91 = arith.constant 1 : i32
    %scan3A_92 = arith.constant 31 : i32
    %scan3A_93 = arith.addi %scan3A_91, %scan3A_92 : i32
    %scan3A_94 = arith.constant 1 : i32
    scf.for %scan3A_136 = %scan3A_91 to %scan3A_93 step %scan3A_94  : i32 {
      %mul3A_137 = arith.constant 2 : i32
      %mul3A_138 = arith.muli %mul3A_137, %scan3A_136 : i32
      %add3A_139 = arith.constant 0 : i32
      %add3A_140 = arith.addi %mul3A_138, %add3A_139 : i32
      %dma_wait3A_141 = arith.constant 0 : i32
      %dma_wait3A_142 = tpu.memref_slice %arg2[%dma_wait3A_141] : memref<819200xi32, #tpu.memory_space<hbm>> -> memref<400xi32, #tpu.memory_space<hbm>>
      %dma_wait3A_143 = arith.constant 0 : i32
      %dma_wait3A_144 = tpu.memref_slice %arg2[%dma_wait3A_143] : memref<819200xi32, #tpu.memory_space<hbm>> -> memref<400xi32, #tpu.memory_space<hbm>>
      tpu.wait_dma2 semaphore(%arg21 : memref<!tpu.dma_semaphore, #tpu.memory_space<semaphore_mem>>) src(%dma_wait3A_144 : memref<400xi32, #tpu.memory_space<hbm>>) dst(%arg7 : memref<400xi32, #tpu.memory_space<vmem>>)
      %dma_wait3A_145 = arith.constant 0 : i32
      %dma_wait3A_146 = tpu.memref_slice %arg3[%dma_wait3A_145] : memref<819200xi32, #tpu.memory_space<hbm>> -> memref<400xi32, #tpu.memory_space<hbm>>
      %dma_wait3A_147 = arith.constant 0 : i32
      %dma_wait3A_148 = tpu.memref_slice %arg3[%dma_wait3A_147] : memref<819200xi32, #tpu.memory_space<hbm>> -> memref<400xi32, #tpu.memory_space<hbm>>
      tpu.wait_dma2 semaphore(%arg21 : memref<!tpu.dma_semaphore, #tpu.memory_space<semaphore_mem>>) src(%dma_wait3A_148 : memref<400xi32, #tpu.memory_space<hbm>>) dst(%arg9 : memref<400xi32, #tpu.memory_space<vmem>>)
      %dma_wait3A_149 = arith.constant 0 : i32
      %dma_wait3A_150 = arith.constant 0 : i32
      %dma_wait3A_151 = tpu.memref_slice %arg6[%dma_wait3A_149, %dma_wait3A_150] : memref<819200x128xf32, #tpu.memory_space<hbm>> -> memref<400x64xf32, #tpu.memory_space<hbm>>
      %dma_wait3A_152 = arith.constant 0 : i32
      %dma_wait3A_153 = arith.constant 0 : i32
      %dma_wait3A_154 = tpu.memref_slice %arg6[%dma_wait3A_152, %dma_wait3A_153] : memref<819200x128xf32, #tpu.memory_space<hbm>> -> memref<400x64xf32, #tpu.memory_space<hbm>>
      tpu.wait_dma2 semaphore(%arg17 : memref<!tpu.dma_semaphore, #tpu.memory_space<semaphore_mem>>) src(%arg11 : memref<400x64xf32, #tpu.memory_space<vmem>>) dst(%dma_wait3A_154 : memref<400x64xf32, #tpu.memory_space<hbm>>)
      %dma_wait3A_155 = arith.constant 0 : i32
      %dma_wait3A_156 = arith.constant 64 : i32
      %dma_wait3A_157 = tpu.memref_slice %arg6[%dma_wait3A_155, %dma_wait3A_156] : memref<819200x128xf32, #tpu.memory_space<hbm>> -> memref<400x64xf32, #tpu.memory_space<hbm>>
      %dma_wait3A_158 = arith.constant 0 : i32
      %dma_wait3A_159 = arith.constant 64 : i32
      %dma_wait3A_160 = tpu.memref_slice %arg6[%dma_wait3A_158, %dma_wait3A_159] : memref<819200x128xf32, #tpu.memory_space<hbm>> -> memref<400x64xf32, #tpu.memory_space<hbm>>
      tpu.wait_dma2 semaphore(%arg19 : memref<!tpu.dma_semaphore, #tpu.memory_space<semaphore_mem>>) src(%arg13 : memref<400x64xf32, #tpu.memory_space<vmem>>) dst(%dma_wait3A_160 : memref<400x64xf32, #tpu.memory_space<hbm>>)
      %dma_start3A_161 = arith.constant 0 : i32
      %dma_start3A_162 = arith.constant 0 : i32
      %dma_start3A_163 = tpu.memref_slice %arg4[%dma_start3A_161, %dma_start3A_162] : memref<1000000x64xf32, #tpu.memory_space<hbm>> -> memref<1000000x64xf32, #tpu.memory_space<hbm>>
      tpu.enqueue_indirect_dma source(%dma_start3A_163 : memref<1000000x64xf32, #tpu.memory_space<hbm>>) target(%arg11 : memref<400x64xf32, #tpu.memory_space<vmem>>) offsets(%arg7 : memref<400xi32, #tpu.memory_space<vmem>>) semaphore(%arg15 : memref<!tpu.dma_semaphore, #tpu.memory_space<semaphore_mem>>)
      %dma_start3A_164 = arith.constant 0 : i32
      %dma_start3A_165 = arith.constant 0 : i32
      %dma_start3A_166 = tpu.memref_slice %arg5[%dma_start3A_164, %dma_start3A_165] : memref<2048x64xf32, #tpu.memory_space<hbm>> -> memref<2048x64xf32, #tpu.memory_space<hbm>>
      tpu.enqueue_indirect_dma source(%dma_start3A_166 : memref<2048x64xf32, #tpu.memory_space<hbm>>) target(%arg13 : memref<400x64xf32, #tpu.memory_space<vmem>>) offsets(%arg9 : memref<400xi32, #tpu.memory_space<vmem>>) semaphore(%arg15 : memref<!tpu.dma_semaphore, #tpu.memory_space<semaphore_mem>>)
      %dma_wait3A_167 = arith.constant 0 : i32
      %dma_wait3A_168 = arith.constant 0 : i32
      %dma_wait3A_169 = tpu.memref_slice %arg4[%dma_wait3A_167, %dma_wait3A_168] : memref<1000000x64xf32, #tpu.memory_space<hbm>> -> memref<1000000x64xf32, #tpu.memory_space<hbm>>
      tpu.wait_indirect_dma semaphore(%arg15 : memref<!tpu.dma_semaphore, #tpu.memory_space<semaphore_mem>>) src(%dma_wait3A_169 : memref<1000000x64xf32, #tpu.memory_space<hbm>>) dst(%arg11 : memref<400x64xf32, #tpu.memory_space<vmem>>)
      %dma_wait3A_170 = arith.constant 0 : i32
      %dma_wait3A_171 = arith.constant 0 : i32
      %dma_wait3A_172 = tpu.memref_slice %arg5[%dma_wait3A_170, %dma_wait3A_171] : memref<2048x64xf32, #tpu.memory_space<hbm>> -> memref<2048x64xf32, #tpu.memory_space<hbm>>
      tpu.wait_indirect_dma semaphore(%arg15 : memref<!tpu.dma_semaphore, #tpu.memory_space<semaphore_mem>>) src(%dma_wait3A_172 : memref<2048x64xf32, #tpu.memory_space<hbm>>) dst(%arg13 : memref<400x64xf32, #tpu.memory_space<vmem>>)
      %add3A_173 = arith.constant 2 : i32
      %add3A_174 = arith.addi %add3A_140, %add3A_173 : i32
      %mul3A_175 = arith.constant 400 : i32
      %mul3A_176 = arith.muli %add3A_174, %mul3A_175 : i32
      %add3A_177 = arith.addi %mul3A_2, %mul3A_176 : i32
      %min3A_178 = arith.minsi %add3A_177, %sub3A_5 : i32
      %dma_start3A_179 = tpu.memref_slice %arg2[%min3A_178] : memref<819200xi32, #tpu.memory_space<hbm>> -> memref<400xi32, #tpu.memory_space<hbm>>
      %dma_start3A_180 = tpu.memref_slice %arg2[%min3A_178] : memref<819200xi32, #tpu.memory_space<hbm>> -> memref<400xi32, #tpu.memory_space<hbm>>
      tpu.enqueue_dma source(%dma_start3A_180 : memref<400xi32, #tpu.memory_space<hbm>>) target(%arg7 : memref<400xi32, #tpu.memory_space<vmem>>) target_semaphore(%arg21 : memref<!tpu.dma_semaphore, #tpu.memory_space<semaphore_mem>>)
      %dma_start3A_181 = tpu.memref_slice %arg3[%min3A_178] : memref<819200xi32, #tpu.memory_space<hbm>> -> memref<400xi32, #tpu.memory_space<hbm>>
      %dma_start3A_182 = tpu.memref_slice %arg3[%min3A_178] : memref<819200xi32, #tpu.memory_space<hbm>> -> memref<400xi32, #tpu.memory_space<hbm>>
      tpu.enqueue_dma source(%dma_start3A_182 : memref<400xi32, #tpu.memory_space<hbm>>) target(%arg9 : memref<400xi32, #tpu.memory_space<vmem>>) target_semaphore(%arg21 : memref<!tpu.dma_semaphore, #tpu.memory_space<semaphore_mem>>)
      %mul3A_183 = arith.constant 400 : i32
      %mul3A_184 = arith.muli %add3A_140, %mul3A_183 : i32
      %add3A_185 = arith.addi %mul3A_2, %mul3A_184 : i32
      %dma_start3A_186 = arith.constant 0 : i32
      %dma_start3A_187 = tpu.memref_slice %arg6[%add3A_185, %dma_start3A_186] : memref<819200x128xf32, #tpu.memory_space<hbm>> -> memref<400x64xf32, #tpu.memory_space<hbm>>
      %dma_start3A_188 = arith.constant 0 : i32
      %dma_start3A_189 = tpu.memref_slice %arg6[%add3A_185, %dma_start3A_188] : memref<819200x128xf32, #tpu.memory_space<hbm>> -> memref<400x64xf32, #tpu.memory_space<hbm>>
      tpu.enqueue_dma source(%arg11 : memref<400x64xf32, #tpu.memory_space<vmem>>) target(%dma_start3A_189 : memref<400x64xf32, #tpu.memory_space<hbm>>) target_semaphore(%arg17 : memref<!tpu.dma_semaphore, #tpu.memory_space<semaphore_mem>>)
      %dma_start3A_190 = arith.constant 64 : i32
      %dma_start3A_191 = tpu.memref_slice %arg6[%add3A_185, %dma_start3A_190] : memref<819200x128xf32, #tpu.memory_space<hbm>> -> memref<400x64xf32, #tpu.memory_space<hbm>>
      %dma_start3A_192 = arith.constant 64 : i32
      %dma_start3A_193 = tpu.memref_slice %arg6[%add3A_185, %dma_start3A_192] : memref<819200x128xf32, #tpu.memory_space<hbm>> -> memref<400x64xf32, #tpu.memory_space<hbm>>
      tpu.enqueue_dma source(%arg13 : memref<400x64xf32, #tpu.memory_space<vmem>>) target(%dma_start3A_193 : memref<400x64xf32, #tpu.memory_space<hbm>>) target_semaphore(%arg19 : memref<!tpu.dma_semaphore, #tpu.memory_space<semaphore_mem>>)
      %mul3A_194 = arith.constant 2 : i32
      %mul3A_195 = arith.muli %mul3A_194, %scan3A_136 : i32
      %add3A_196 = arith.constant 1 : i32
      %add3A_197 = arith.addi %mul3A_195, %add3A_196 : i32
      %dma_wait3A_198 = arith.constant 0 : i32
      %dma_wait3A_199 = tpu.memref_slice %arg2[%dma_wait3A_198] : memref<819200xi32, #tpu.memory_space<hbm>> -> memref<400xi32, #tpu.memory_space<hbm>>
      %dma_wait3A_200 = arith.constant 0 : i32
      %dma_wait3A_201 = tpu.memref_slice %arg2[%dma_wait3A_200] : memref<819200xi32, #tpu.memory_space<hbm>> -> memref<400xi32, #tpu.memory_space<hbm>>
      tpu.wait_dma2 semaphore(%arg22 : memref<!tpu.dma_semaphore, #tpu.memory_space<semaphore_mem>>) src(%dma_wait3A_201 : memref<400xi32, #tpu.memory_space<hbm>>) dst(%arg8 : memref<400xi32, #tpu.memory_space<vmem>>)
      %dma_wait3A_202 = arith.constant 0 : i32
      %dma_wait3A_203 = tpu.memref_slice %arg3[%dma_wait3A_202] : memref<819200xi32, #tpu.memory_space<hbm>> -> memref<400xi32, #tpu.memory_space<hbm>>
      %dma_wait3A_204 = arith.constant 0 : i32
      %dma_wait3A_205 = tpu.memref_slice %arg3[%dma_wait3A_204] : memref<819200xi32, #tpu.memory_space<hbm>> -> memref<400xi32, #tpu.memory_space<hbm>>
      tpu.wait_dma2 semaphore(%arg22 : memref<!tpu.dma_semaphore, #tpu.memory_space<semaphore_mem>>) src(%dma_wait3A_205 : memref<400xi32, #tpu.memory_space<hbm>>) dst(%arg10 : memref<400xi32, #tpu.memory_space<vmem>>)
      %dma_wait3A_206 = arith.constant 0 : i32
      %dma_wait3A_207 = arith.constant 0 : i32
      %dma_wait3A_208 = tpu.memref_slice %arg6[%dma_wait3A_206, %dma_wait3A_207] : memref<819200x128xf32, #tpu.memory_space<hbm>> -> memref<400x64xf32, #tpu.memory_space<hbm>>
      %dma_wait3A_209 = arith.constant 0 : i32
      %dma_wait3A_210 = arith.constant 0 : i32
      %dma_wait3A_211 = tpu.memref_slice %arg6[%dma_wait3A_209, %dma_wait3A_210] : memref<819200x128xf32, #tpu.memory_space<hbm>> -> memref<400x64xf32, #tpu.memory_space<hbm>>
      tpu.wait_dma2 semaphore(%arg18 : memref<!tpu.dma_semaphore, #tpu.memory_space<semaphore_mem>>) src(%arg12 : memref<400x64xf32, #tpu.memory_space<vmem>>) dst(%dma_wait3A_211 : memref<400x64xf32, #tpu.memory_space<hbm>>)
      %dma_wait3A_212 = arith.constant 0 : i32
      %dma_wait3A_213 = arith.constant 64 : i32
      %dma_wait3A_214 = tpu.memref_slice %arg6[%dma_wait3A_212, %dma_wait3A_213] : memref<819200x128xf32, #tpu.memory_space<hbm>> -> memref<400x64xf32, #tpu.memory_space<hbm>>
      %dma_wait3A_215 = arith.constant 0 : i32
      %dma_wait3A_216 = arith.constant 64 : i32
      %dma_wait3A_217 = tpu.memref_slice %arg6[%dma_wait3A_215, %dma_wait3A_216] : memref<819200x128xf32, #tpu.memory_space<hbm>> -> memref<400x64xf32, #tpu.memory_space<hbm>>
      tpu.wait_dma2 semaphore(%arg20 : memref<!tpu.dma_semaphore, #tpu.memory_space<semaphore_mem>>) src(%arg14 : memref<400x64xf32, #tpu.memory_space<vmem>>) dst(%dma_wait3A_217 : memref<400x64xf32, #tpu.memory_space<hbm>>)
      %dma_start3A_218 = arith.constant 0 : i32
      %dma_start3A_219 = arith.constant 0 : i32
      %dma_start3A_220 = tpu.memref_slice %arg4[%dma_start3A_218, %dma_start3A_219] : memref<1000000x64xf32, #tpu.memory_space<hbm>> -> memref<1000000x64xf32, #tpu.memory_space<hbm>>
      tpu.enqueue_indirect_dma source(%dma_start3A_220 : memref<1000000x64xf32, #tpu.memory_space<hbm>>) target(%arg12 : memref<400x64xf32, #tpu.memory_space<vmem>>) offsets(%arg8 : memref<400xi32, #tpu.memory_space<vmem>>) semaphore(%arg16 : memref<!tpu.dma_semaphore, #tpu.memory_space<semaphore_mem>>)
      %dma_start3A_221 = arith.constant 0 : i32
      %dma_start3A_222 = arith.constant 0 : i32
      %dma_start3A_223 = tpu.memref_slice %arg5[%dma_start3A_221, %dma_start3A_222] : memref<2048x64xf32, #tpu.memory_space<hbm>> -> memref<2048x64xf32, #tpu.memory_space<hbm>>
      tpu.enqueue_indirect_dma source(%dma_start3A_223 : memref<2048x64xf32, #tpu.memory_space<hbm>>) target(%arg14 : memref<400x64xf32, #tpu.memory_space<vmem>>) offsets(%arg10 : memref<400xi32, #tpu.memory_space<vmem>>) semaphore(%arg16 : memref<!tpu.dma_semaphore, #tpu.memory_space<semaphore_mem>>)
      %dma_wait3A_224 = arith.constant 0 : i32
      %dma_wait3A_225 = arith.constant 0 : i32
      %dma_wait3A_226 = tpu.memref_slice %arg4[%dma_wait3A_224, %dma_wait3A_225] : memref<1000000x64xf32, #tpu.memory_space<hbm>> -> memref<1000000x64xf32, #tpu.memory_space<hbm>>
      tpu.wait_indirect_dma semaphore(%arg16 : memref<!tpu.dma_semaphore, #tpu.memory_space<semaphore_mem>>) src(%dma_wait3A_226 : memref<1000000x64xf32, #tpu.memory_space<hbm>>) dst(%arg12 : memref<400x64xf32, #tpu.memory_space<vmem>>)
      %dma_wait3A_227 = arith.constant 0 : i32
      %dma_wait3A_228 = arith.constant 0 : i32
      %dma_wait3A_229 = tpu.memref_slice %arg5[%dma_wait3A_227, %dma_wait3A_228] : memref<2048x64xf32, #tpu.memory_space<hbm>> -> memref<2048x64xf32, #tpu.memory_space<hbm>>
      tpu.wait_indirect_dma semaphore(%arg16 : memref<!tpu.dma_semaphore, #tpu.memory_space<semaphore_mem>>) src(%dma_wait3A_229 : memref<2048x64xf32, #tpu.memory_space<hbm>>) dst(%arg14 : memref<400x64xf32, #tpu.memory_space<vmem>>)
      %add3A_230 = arith.constant 2 : i32
      %add3A_231 = arith.addi %add3A_197, %add3A_230 : i32
      %mul3A_232 = arith.constant 400 : i32
      %mul3A_233 = arith.muli %add3A_231, %mul3A_232 : i32
      %add3A_234 = arith.addi %mul3A_2, %mul3A_233 : i32
      %min3A_235 = arith.minsi %add3A_234, %sub3A_5 : i32
      %dma_start3A_236 = tpu.memref_slice %arg2[%min3A_235] : memref<819200xi32, #tpu.memory_space<hbm>> -> memref<400xi32, #tpu.memory_space<hbm>>
      %dma_start3A_237 = tpu.memref_slice %arg2[%min3A_235] : memref<819200xi32, #tpu.memory_space<hbm>> -> memref<400xi32, #tpu.memory_space<hbm>>
      tpu.enqueue_dma source(%dma_start3A_237 : memref<400xi32, #tpu.memory_space<hbm>>) target(%arg8 : memref<400xi32, #tpu.memory_space<vmem>>) target_semaphore(%arg22 : memref<!tpu.dma_semaphore, #tpu.memory_space<semaphore_mem>>)
      %dma_start3A_238 = tpu.memref_slice %arg3[%min3A_235] : memref<819200xi32, #tpu.memory_space<hbm>> -> memref<400xi32, #tpu.memory_space<hbm>>
      %dma_start3A_239 = tpu.memref_slice %arg3[%min3A_235] : memref<819200xi32, #tpu.memory_space<hbm>> -> memref<400xi32, #tpu.memory_space<hbm>>
      tpu.enqueue_dma source(%dma_start3A_239 : memref<400xi32, #tpu.memory_space<hbm>>) target(%arg10 : memref<400xi32, #tpu.memory_space<vmem>>) target_semaphore(%arg22 : memref<!tpu.dma_semaphore, #tpu.memory_space<semaphore_mem>>)
      %mul3A_240 = arith.constant 400 : i32
      %mul3A_241 = arith.muli %add3A_197, %mul3A_240 : i32
      %add3A_242 = arith.addi %mul3A_2, %mul3A_241 : i32
      %dma_start3A_243 = arith.constant 0 : i32
      %dma_start3A_244 = tpu.memref_slice %arg6[%add3A_242, %dma_start3A_243] : memref<819200x128xf32, #tpu.memory_space<hbm>> -> memref<400x64xf32, #tpu.memory_space<hbm>>
      %dma_start3A_245 = arith.constant 0 : i32
      %dma_start3A_246 = tpu.memref_slice %arg6[%add3A_242, %dma_start3A_245] : memref<819200x128xf32, #tpu.memory_space<hbm>> -> memref<400x64xf32, #tpu.memory_space<hbm>>
      tpu.enqueue_dma source(%arg12 : memref<400x64xf32, #tpu.memory_space<vmem>>) target(%dma_start3A_246 : memref<400x64xf32, #tpu.memory_space<hbm>>) target_semaphore(%arg18 : memref<!tpu.dma_semaphore, #tpu.memory_space<semaphore_mem>>)
      %dma_start3A_247 = arith.constant 64 : i32
      %dma_start3A_248 = tpu.memref_slice %arg6[%add3A_242, %dma_start3A_247] : memref<819200x128xf32, #tpu.memory_space<hbm>> -> memref<400x64xf32, #tpu.memory_space<hbm>>
      %dma_start3A_249 = arith.constant 64 : i32
      %dma_start3A_250 = tpu.memref_slice %arg6[%add3A_242, %dma_start3A_249] : memref<819200x128xf32, #tpu.memory_space<hbm>> -> memref<400x64xf32, #tpu.memory_space<hbm>>
      tpu.enqueue_dma source(%arg14 : memref<400x64xf32, #tpu.memory_space<vmem>>) target(%dma_start3A_250 : memref<400x64xf32, #tpu.memory_space<hbm>>) target_semaphore(%arg20 : memref<!tpu.dma_semaphore, #tpu.memory_space<semaphore_mem>>)
    }
    %scan3A_95 = arith.constant 31 : i32
    %dma_wait3A_96 = arith.constant 0 : i32
    %dma_wait3A_97 = tpu.memref_slice %arg2[%dma_wait3A_96] : memref<819200xi32, #tpu.memory_space<hbm>> -> memref<400xi32, #tpu.memory_space<hbm>>
    %dma_wait3A_98 = arith.constant 0 : i32
    %dma_wait3A_99 = tpu.memref_slice %arg2[%dma_wait3A_98] : memref<819200xi32, #tpu.memory_space<hbm>> -> memref<400xi32, #tpu.memory_space<hbm>>
    tpu.wait_dma2 semaphore(%arg21 : memref<!tpu.dma_semaphore, #tpu.memory_space<semaphore_mem>>) src(%dma_wait3A_99 : memref<400xi32, #tpu.memory_space<hbm>>) dst(%arg7 : memref<400xi32, #tpu.memory_space<vmem>>)
    %dma_wait3A_100 = arith.constant 0 : i32
    %dma_wait3A_101 = tpu.memref_slice %arg3[%dma_wait3A_100] : memref<819200xi32, #tpu.memory_space<hbm>> -> memref<400xi32, #tpu.memory_space<hbm>>
    %dma_wait3A_102 = arith.constant 0 : i32
    %dma_wait3A_103 = tpu.memref_slice %arg3[%dma_wait3A_102] : memref<819200xi32, #tpu.memory_space<hbm>> -> memref<400xi32, #tpu.memory_space<hbm>>
    tpu.wait_dma2 semaphore(%arg21 : memref<!tpu.dma_semaphore, #tpu.memory_space<semaphore_mem>>) src(%dma_wait3A_103 : memref<400xi32, #tpu.memory_space<hbm>>) dst(%arg9 : memref<400xi32, #tpu.memory_space<vmem>>)
    %dma_wait3A_104 = arith.constant 0 : i32
    %dma_wait3A_105 = arith.constant 0 : i32
    %dma_wait3A_106 = tpu.memref_slice %arg6[%dma_wait3A_104, %dma_wait3A_105] : memref<819200x128xf32, #tpu.memory_space<hbm>> -> memref<400x64xf32, #tpu.memory_space<hbm>>
    %dma_wait3A_107 = arith.constant 0 : i32
    %dma_wait3A_108 = arith.constant 0 : i32
    %dma_wait3A_109 = tpu.memref_slice %arg6[%dma_wait3A_107, %dma_wait3A_108] : memref<819200x128xf32, #tpu.memory_space<hbm>> -> memref<400x64xf32, #tpu.memory_space<hbm>>
    tpu.wait_dma2 semaphore(%arg17 : memref<!tpu.dma_semaphore, #tpu.memory_space<semaphore_mem>>) src(%arg11 : memref<400x64xf32, #tpu.memory_space<vmem>>) dst(%dma_wait3A_109 : memref<400x64xf32, #tpu.memory_space<hbm>>)
    %dma_wait3A_110 = arith.constant 0 : i32
    %dma_wait3A_111 = arith.constant 64 : i32
    %dma_wait3A_112 = tpu.memref_slice %arg6[%dma_wait3A_110, %dma_wait3A_111] : memref<819200x128xf32, #tpu.memory_space<hbm>> -> memref<400x64xf32, #tpu.memory_space<hbm>>
    %dma_wait3A_113 = arith.constant 0 : i32
    %dma_wait3A_114 = arith.constant 64 : i32
    %dma_wait3A_115 = tpu.memref_slice %arg6[%dma_wait3A_113, %dma_wait3A_114] : memref<819200x128xf32, #tpu.memory_space<hbm>> -> memref<400x64xf32, #tpu.memory_space<hbm>>
    tpu.wait_dma2 semaphore(%arg19 : memref<!tpu.dma_semaphore, #tpu.memory_space<semaphore_mem>>) src(%arg13 : memref<400x64xf32, #tpu.memory_space<vmem>>) dst(%dma_wait3A_115 : memref<400x64xf32, #tpu.memory_space<hbm>>)
    %dma_wait3A_116 = arith.constant 0 : i32
    %dma_wait3A_117 = tpu.memref_slice %arg2[%dma_wait3A_116] : memref<819200xi32, #tpu.memory_space<hbm>> -> memref<400xi32, #tpu.memory_space<hbm>>
    %dma_wait3A_118 = arith.constant 0 : i32
    %dma_wait3A_119 = tpu.memref_slice %arg2[%dma_wait3A_118] : memref<819200xi32, #tpu.memory_space<hbm>> -> memref<400xi32, #tpu.memory_space<hbm>>
    tpu.wait_dma2 semaphore(%arg22 : memref<!tpu.dma_semaphore, #tpu.memory_space<semaphore_mem>>) src(%dma_wait3A_119 : memref<400xi32, #tpu.memory_space<hbm>>) dst(%arg8 : memref<400xi32, #tpu.memory_space<vmem>>)
    %dma_wait3A_120 = arith.constant 0 : i32
    %dma_wait3A_121 = tpu.memref_slice %arg3[%dma_wait3A_120] : memref<819200xi32, #tpu.memory_space<hbm>> -> memref<400xi32, #tpu.memory_space<hbm>>
    %dma_wait3A_122 = arith.constant 0 : i32
    %dma_wait3A_123 = tpu.memref_slice %arg3[%dma_wait3A_122] : memref<819200xi32, #tpu.memory_space<hbm>> -> memref<400xi32, #tpu.memory_space<hbm>>
    tpu.wait_dma2 semaphore(%arg22 : memref<!tpu.dma_semaphore, #tpu.memory_space<semaphore_mem>>) src(%dma_wait3A_123 : memref<400xi32, #tpu.memory_space<hbm>>) dst(%arg10 : memref<400xi32, #tpu.memory_space<vmem>>)
    %dma_wait3A_124 = arith.constant 0 : i32
    %dma_wait3A_125 = arith.constant 0 : i32
    %dma_wait3A_126 = tpu.memref_slice %arg6[%dma_wait3A_124, %dma_wait3A_125] : memref<819200x128xf32, #tpu.memory_space<hbm>> -> memref<400x64xf32, #tpu.memory_space<hbm>>
    %dma_wait3A_127 = arith.constant 0 : i32
    %dma_wait3A_128 = arith.constant 0 : i32
    %dma_wait3A_129 = tpu.memref_slice %arg6[%dma_wait3A_127, %dma_wait3A_128] : memref<819200x128xf32, #tpu.memory_space<hbm>> -> memref<400x64xf32, #tpu.memory_space<hbm>>
    tpu.wait_dma2 semaphore(%arg18 : memref<!tpu.dma_semaphore, #tpu.memory_space<semaphore_mem>>) src(%arg12 : memref<400x64xf32, #tpu.memory_space<vmem>>) dst(%dma_wait3A_129 : memref<400x64xf32, #tpu.memory_space<hbm>>)
    %dma_wait3A_130 = arith.constant 0 : i32
    %dma_wait3A_131 = arith.constant 64 : i32
    %dma_wait3A_132 = tpu.memref_slice %arg6[%dma_wait3A_130, %dma_wait3A_131] : memref<819200x128xf32, #tpu.memory_space<hbm>> -> memref<400x64xf32, #tpu.memory_space<hbm>>
    %dma_wait3A_133 = arith.constant 0 : i32
    %dma_wait3A_134 = arith.constant 64 : i32
    %dma_wait3A_135 = tpu.memref_slice %arg6[%dma_wait3A_133, %dma_wait3A_134] : memref<819200x128xf32, #tpu.memory_space<hbm>> -> memref<400x64xf32, #tpu.memory_space<hbm>>
    tpu.wait_dma2 semaphore(%arg20 : memref<!tpu.dma_semaphore, #tpu.memory_space<semaphore_mem>>) src(%arg14 : memref<400x64xf32, #tpu.memory_space<vmem>>) dst(%dma_wait3A_135 : memref<400x64xf32, #tpu.memory_space<hbm>>)
    return
  }
}

</mosaic_0001>

<sc_bundles>
// kernel: kernel.3.cloned.1.call-start
scs
__scs_entry_jumppad:
0x0: {  	(pc) =	sbr.rel $0x88, $3  }
0x1: {  	(tag) =	ssettag $0x0;
	lr =	simm.s32 $0x1  }
0x2: {  	[smem:$0x3F9D] =	sst lr;
	_ =	strace $0xD0000000  }
0x3: {  	_ = 	snop  }
0x4: {  	_ = 	snop  }
0x5: {  	_ = 	snop  }
0x6: {  	_ = 	snop  }
0x7: {  	_ = 	snop  }
__scs_overlays_trampoline_lowered:
0x8: {  	[smem:$0x3FAC] =	sst s0  }
0x9: {  	[smem:$0x3FAD] =	sst s1  }
0xa: {  	[smem:$0x3FAE] =	sst s2  }
0xb: {  	[smem:$0x3FAF] =	sst s3  }
0xc: {  	[smem:$0x3FB0] =	sst s4  }
0xd: {  	[smem:$0x3FB1] =	sst s5  }
0xe: {  	[smem:$0x3FB2] =	sst s6  }
0xf: {  	[smem:$0x3FB3] =	sst s7  }
0x10: {  	[smem:$0x3FB4] =	sst s8  }
0x11: {  	[smem:$0x3FB5] =	sst s9;
	s0 =	simm.s32 @!p0 $0x0  }
0x12: {  	s1 =	sld [smem:$0x3F9B];
	s0 =	simm.s32 @p0 $0x1  }
0x13: {  	[smem:$0x3FB6] =	sst s0;
	s0 =	simm.s32 @!p1 $0x0  }
0x14: {  	s2 =	sld [smem:$0x3F9A];
	s0 =	simm.s32 @p1 $0x1  }
0x15: {  	[smem:$0x3FB7] =	sst s0;
	s0 =	simm.s32 @!p2 $0x0  }
0x16: {  	s3 =	sld [smem:$0x3FDB];
	s0 =	simm.s32 @p2 $0x1  }
0x17: {  	s4 =	simm.s32 $0x1BF5;
	[smem:$0x3FB9] =	sst s0  }
0x18: {  	s0 =	sld [smem:$0x3F9C];
	_ =	swait.ge [sflag:s4], $0x0  }
0x19: {  	s7 =	sld [smem:$0x3F9D]  }
0x1a: {  	s8 =	sadd.s32 $0xFFFFE003, lr  }
0x1b: {  	s9 =	sadd.s32 $0xFFFFFEF7, lr;
	s5 =	simm.s32 $0xFFFFFFFF;
	p2 =	slt.u32 s8, $0xFFFFF086  }
0x1c: {  	p1 =	slt.u32 s9, $0xF7A;
	s5 =	simm.s32 @!p2 $0x0  }
0x1d: {  	s5 =	simm.s32 @p1 $0x1;
	p0 =	seq.s32 s7, s2  }
0x1e: {  	s7 =	smul.u32 @!p0 $0xF7A, s2;
	p2 =	seq.s32 @!p0 s5, $0x0  }
0x1f: {  	s9 =	smul.u32 $0xF7A, s1;
	s8 =	simm.s32 @!p0 $0x1BF5;
	p2 =	por !p2, p0  }
0x20: {  	[sflag:s8] =	ssyncset.s32 @!p0 $0xFFFFF086;
	s6 =	sadd.s32 @!p0 s3, s7;
	s7 =	simm.s32 @!p0 $0x108  }
0x21: {  	s3 =	sadd.s32 s3, s9;
	s6 =	sadd.s32 @!p0 $0x88, s6;
	s7 =	simm.s32 @p2 $0x1082  }
0x22: {  	[simem:s7], [sflag:s8] =	dma.local @!p0 [hbm:s6], $0xF7A  }
0x23: {  	s9 =	sor.u32 $0xD0000000, s2;
	s6 =	simm.s32 $0x108;
	_ =	swait.ge @!p0 [sflag:s8], $0x0  }
0x24: {  	s3 =	sadd.s32 $0x88, s3;
	s6 =	simm.s32 @!p1 $0x1082;
	[sflag:s4] =	ssyncset.s32 $0xFFFFF086  }
0x25: {  	[simem:s6], [sflag:s4] =	dma.local [hbm:s3], $0xF7A  }
0x26: {  	[smem:$0x3F9D] =	sst s1;
	(tag) =	ssettag s2;
	_ =	strace s9  }
0x27: {  	s1 =	sld [smem:$0x3FAD]  }
0x28: {  	s2 =	sld [smem:$0x3FAE]  }
0x29: {  	s4 =	sld [smem:$0x3FB0]  }
0x2a: {  	p0 =	seq.s32 s5, $0x0;
	s5 =	sld [smem:$0x3FB1]  }
0x2b: {  	s6 =	sld [smem:$0x3FB2]  }
0x2c: {  	s7 =	sld [smem:$0x3FB3]  }
0x2d: {  	s3 =	simm.s32 $0x108;
	s8 =	sld [smem:$0x3FB4]  }
0x2e: {  	s3 =	simm.s32 @!p0 $0x1082;
	s9 =	sld [smem:$0x3FB5]  }
0x2f: {  	lr =	sadd.s32 s0, s3;
	s0 =	sld [smem:$0x3FAC]  }
0x30: {  	s3 =	sld [smem:$0x3FAF]  }
0x31: {  	[smem:$0x3FB8] =	sst s10  }
0x32: {  	s10 =	sld [smem:$0x3FB6];
	_ =	sdelay $0x3  }
0x33: {  	p0 =	seq.s32 s10, $0x1;
	s10 =	sld [smem:$0x3FB8];
	_ =	sdelay $0x3  }
0x34: {  	[smem:$0x3FB8] =	sst s10  }
0x35: {  	s10 =	sld [smem:$0x3FB7];
	_ =	sdelay $0x3  }
0x36: {  	p1 =	seq.s32 s10, $0x1;
	s10 =	sld [smem:$0x3FB8];
	_ =	sdelay $0x3  }
0x37: {  	[smem:$0x3FB8] =	sst s10  }
0x38: {  	s10 =	sld [smem:$0x3FB9]  }
0x39: {  	_ = 	snop;
	(pc) =	sbr.ind lr, $3  }
0x3a: {  	_ = 	snop  }
0x3b: {  	_ = 	snop  }
0x3c: {  	p2 =	seq.s32 s10, $0x1;
	s10 =	sld [smem:$0x3FB8]  }
0x3d: {  	_ =	shalt  }
0x3e: {  	_ =	shalt  }
0x3f: {  	_ =	shalt  }
0x40: {  	_ =	shalt  }
0x41: {  	_ =	shalt  }
0x42: {  	_ =	shalt  }
0x43: {  	_ =	shalt  }
0x44: {  	_ =	shalt  }
0x45: {  	_ =	shalt  }
0x46: {  	_ =	shalt  }
0x47: {  	_ =	shalt  }
0x48: {  	_ =	shalt  }
0x49: {  	_ =	shalt  }
0x4a: {  	_ =	shalt  }
0x4b: {  	_ =	shalt  }
0x4c: {  	_ =	shalt  }
0x4d: {  	_ =	shalt  }
0x4e: {  	_ =	shalt  }
0x4f: {  	_ =	shalt  }
0x50: {  	_ =	shalt  }
0x51: {  	_ =	shalt  }
0x52: {  	_ =	shalt  }
0x53: {  	_ =	shalt  }
0x54: {  	_ =	shalt  }
0x55: {  	_ =	shalt  }
0x56: {  	_ =	shalt  }
0x57: {  	_ =	shalt  }
0x58: {  	_ =	shalt  }
0x59: {  	_ =	shalt  }
0x5a: {  	_ =	shalt  }
0x5b: {  	_ =	shalt  }
0x5c: {  	_ =	shalt  }
0x5d: {  	_ =	shalt  }
0x5e: {  	_ =	shalt  }
0x5f: {  	_ =	shalt  }
0x60: {  	_ =	shalt  }
0x61: {  	_ =	shalt  }
0x62: {  	_ =	shalt  }
0x63: {  	_ =	shalt  }
0x64: {  	_ =	shalt  }
0x65: {  	_ =	shalt  }
0x66: {  	_ =	shalt  }
0x67: {  	_ =	shalt  }
0x68: {  	_ =	shalt  }
0x69: {  	_ =	shalt  }
0x6a: {  	_ =	shalt  }
0x6b: {  	_ =	shalt  }
0x6c: {  	_ =	shalt  }
0x6d: {  	_ =	shalt  }
0x6e: {  	_ =	shalt  }
0x6f: {  	_ =	shalt  }
0x70: {  	_ =	shalt  }
0x71: {  	_ =	shalt  }
0x72: {  	_ =	shalt  }
0x73: {  	_ =	shalt  }
0x74: {  	_ =	shalt  }
0x75: {  	_ =	shalt  }
0x76: {  	_ =	shalt  }
0x77: {  	_ =	shalt  }
0x78: {  	_ =	shalt  }
0x79: {  	_ =	shalt  }
0x7a: {  	_ =	shalt  }
0x7b: {  	_ =	shalt  }
0x7c: {  	_ =	shalt  }
0x7d: {  	_ =	shalt  }
0x7e: {  	_ =	shalt  }
0x7f: {  	_ =	shalt  }
0x80: {  	_ =	shalt  }
0x81: {  	_ =	shalt  }
0x82: {  	_ =	shalt  }
0x83: {  	_ =	shalt  }
0x84: {  	_ =	shalt  }
0x85: {  	_ =	shalt  }
0x86: {  	_ =	shalt  }
0x87: {  	_ =	shalt  }
.Lfunc_end0:
.L_simem_size_0:
called_computation_lowered:
.L_overlay_start_0:
0x88: {  	s2 =	sld [smem:$0x3FD9]  }
0x89: {  	s3 =	sld [smem:$0x3FFE];
	_ =	sdelay $0x1  }
0x8a: {  	s1 =	srdreg.scid  }
0x8b: {  	s0 =	sand.u32 $0x1, s1  }
0x8c: {  	s17 =	sshll.u32 s0, $0xA;
	s2 =	sadd.s32 s3, s2  }
0x8d: {  	s2 =	sadd.s32 s2, s17  }
0x8e: {  	[smem:$0x3FC4] =	sst s2  }
0x8f: {  	_ = 	snop  }
0x90: {  	s2 =	sld [smem:$0x3FD0];
	(tm) =	ssettm $0x1  }
0x91: {  	s18 =	sld [smem:$0x3FFB];
	_ =	sdelay $0x3  }
0x92: {  	_ =	strace s18  }
0x93: {  	s3 =	sld [smem:$0x3FFC];
	_ =	sdelay $0x3  }
0x94: {  	_ =	strace s3  }
0x95: {  	s3 =	sld [smem:$0x3FFD];
	_ =	sdelay $0x3  }
0x96: {  	_ =	strace s3  }
0x97: {  	_ =	strace $0x8FFFFFFF  }
0x98: {  	s19 =	sld [smem:$0x3FDB];
	_ =	sdelay $0x1  }
0x99: {  	s4 =	simm.s32 $_scs_section_size  }
0x9a: {  	s5 =	simm.s32 $_size__tile_overlayer_lowered;
	s6 =	simm.s32 $_tile_overlayer_lowered  }
0x9b: {  	s22 =	simm.s32 $0x1BFF;
	s21 =	sshll.u32 s6, $0x1;
	s3 =	sadd.s32 s4, s19  }
0x9c: {  	s7 =	simm.s32 $0x0;
	s20 =	sshll.u32 s5, $0x1;
	s5 =	sadd.s32 s21, s3  }
0x9d: {  	[timem:s7], [sflag:s22] =	dma.local [hbm:s5], s20  }
0x9e: {  	_ =	swait.ge [sflag:s22], s20  }
0x9f: {  	s4 =	ssub.s32 $0x0, s20;
	[sflag:s22] =	ssyncset.done $0x0  }
0xa0: {  	[sflag:s22] =	ssyncadd.s32 s4;
	_ =	sdelay $0x1  }
0xa1: {  	s23 =	simm.s32 $0x1B8B  }
0xa2: {  	_ =	swait.ge [sflag:s23], $0x1  }
0xa3: {  	[sflag:s23] =	ssyncset.done $0x0  }
0xa4: {  	s25 =	simm.s32 $0x1B8E;
	s24 =	sld [smem:$0x3FFE];
	[sflag:s23] =	ssyncadd.s32 $0xFFFFFFFF  }
0xa5: {  	s26 =	simm.s32 $execute0_lowered;
	[smem:$0x3FD2] =	sst s25  }
0xa6: {  	s5 =	sshll.u32 s26, $0x1;
	_ =	strace $0x80000046;
	[dreg:$0x1] =	wrdreg $0xFFFFFFFF  }
0xa7: {  	s28 =	simm.s32 $_size_execute0_lowered;
	s3 =	sadd.s32 s3, s5;
	[dreg:$0x0] =	wrdreg $0x0  }
0xa8: {  	s5 =	sshll.u32 s28, $0x1;
	[dreg:$0x2] =	wrdreg s3  }
0xa9: {  	[dreg:$0x3] =	wrdreg s5  }
0xaa: {  	[dreg:$0x4] =	wrdreg $0xC0  }
0xab: {  	_ =	task [dreg:s7], $0x5FFFF  }
0xac: {  	[dreg:$0x1] =	wrdreg $0xFFFFFFFF  }
0xad: {  	[dreg:$0x0] =	wrdreg $0x60  }
0xae: {  	[dreg:$0x2] =	wrdreg s24  }
0xaf: {  	[dreg:$0x3] =	wrdreg s2  }
0xb0: {  	[dreg:$0x4] =	wrdreg $0x9  }
0xb1: {  	_ =	task.clear_ibuf [dreg:s7], $0x5FFFF;
	_ =	strace $0x90000046  }
0xb2: {  	s29 =	simm.s32 $0x9;
	_ =	strace $0x80000048  }
0xb3: {  	_ =	swait.ge [sflag:s29], $0x1  }
0xb4: {  	[sflag:s29] =	ssyncadd.s32 $0xFFFFFFFF  }
0xb5: {  	_ =	strace $0x90000048  }
0xb6: {  	_ =	sfence  }
0xb7: {  	s30 =	sld [smem:$0x0];
	_ =	sdelay $0x2  }
0xb8: {  	s31 =	sshll.u32 s1, $0xD;
	s1 =	sshrl.u32 s1, $0x2  }
0xb9: {  	s3 =	sand.u32 $0x4000, s31;
	s1 =	sadd.s32 s1, s30  }
0xba: {  	s0 =	sor.u32 s3, s0;
	s1 =	sshll.u32 s1, $0x11  }
0xbb: {  	s0 =	sor.u32 s1, s0  }
0xbc: {  	s0 =	sadd.s32 $0x8F2B, s0  }
0xbd: {  	[sflag:s0] =	ssyncadd.remote.s32 $0x1  }
0xbe: {  	_ =	sfence.sel $0xFFFF  }
0xbf: {  	[dreg:$0x0] =	wrdreg $0xFFFFFFFF;
	(pc) =	sbr.abs _section_cstart, $3  }
0xc0: {  	[dreg:$0x1] =	wrdreg $0xFFFFFFFF  }
0xc1: {  	_ =	task.clear_ibuf [dreg:s7], $0x2FFFF;
	_ =	strace $0x9FFFFFFF  }
0xc2: {  	(tm) =	ssettm $0x7FFFFFFF  }
0xc3: {  	_ =	shalt  }
tec
execute0_lowered:
.L_overlay_start_1:
0x0: {  	(tag) =	ssettag $0x1  }
0x1: {  	s0 =	rddreg [dreg:$0x0]  }
0x2: {  	s1 =	rddreg [dreg:$0x1]  }
0x3: {  	s2 =	simm.s32 $0x0;
	s3 =	srdreg.scid;
	s15 =	stileid.u32  }
0x4: {  	s28 =	simm.s32 $0xCE40;
	s29 =	simm.s32 $0x1;
	s30 =	simm.s32 $0x40  }
0x5: {  	s31 =	simm.s32 $0x80;
	[smem:$0x7FF] =	sst s2;
	s8 =	sand.u32 $0x1, s3  }
0x6: {  	s21 =	sshll.u32 s15, $0x1;
	s3 =	sadd.s32 $0x19A00, s0;
	s4 =	sadd.s32 $0xA00, s0  }
0x7: {  	s5 =	sadd.s32 $0xF42E00, s0;
	s16 =	smul.u32 $0xC8000, s15;
	s9 =	sor.u32 s8, s21  }
0x8: {  	s6 =	sadd.s32 $0x32A00, s0;
	s7 =	ssub.s32 $0x2, s8;
	s10 =	smul.u32 $0x6400, s9  }
0x9: {  	_ =	strace $0x80000047;
	s11 =	sshrl.u32 s7, $0x1;
	s9 =	smul.u32 $0x64000, s9  }
0xa: {  	s21 =	smul.u32 $0xC800, s15;
	s0 =	ssub.s32 s7, s11;
	s11 =	sor.u32 $0x190, s10  }
0xb: {  	s19 =	sadd.s32 $0x6270, s10;
	s10 =	sshrl.u32 s10, $0x3;
	s17 =	sadd.s32 s1, s9  }
0xc: {  	s0 =	smax.u32 s0, $0x1;
	s12 =	sshrl.u32 s11, $0x3;
	[dreg:$0xa] =	wrdreg s17  }
0xd: {  	s22 =	sadd.s32 s3, s10;
	s23 =	sadd.s32 s4, s10;
	[dreg:$0x10] =	wrdreg s0  }
0xe: {  	s26 =	sor.u32 $0x64, s10;
	s20 =	sadd.s32 $0x96, s10;
	[dreg:$0x4] =	wrdreg s22  }
0xf: {  	s11 =	sshll.u32 s11, $0x4;
	[dreg:$0x5] =	wrdreg s23;
	s24 =	sadd.s32 s3, s12  }
0x10: {  	s0 =	simm.s32 $0x8;
	s25 =	sadd.s32 s4, s12;
	[dreg:$0x6] =	wrdreg s24  }
0x11: {  	s10 =	simm.s32 $0x3;
	s13 =	sadd.s32 s3, s26;
	[dreg:$0x7] =	wrdreg s25  }
0x12: {  	s14 =	sadd.s32 s4, s26;
	s22 =	sadd.s32 s3, s20;
	[dreg:$0x8] =	wrdreg s13  }
0x13: {  	s23 =	sadd.s32 s4, s20;
	s12 =	simm.s32 $0x4;
	[dreg:$0x9] =	wrdreg s14  }
0x14: {  	s13 =	sadd.s32 $0x8, s1;
	s14 =	smul.u32 $0x64000, s8;
	[dreg:$0xc] =	wrdreg s22  }
0x15: {  	s8 =	smul.u32 $0x6400, s8;
	[dreg:$0xd] =	wrdreg s23;
	s24 =	sadd.s32 s16, s1  }
0x16: {  	s1 =	sadd.s32 s1, s11;
	s22 =	simm.s32 $0x320;
	s23 =	simm.s32 $0x190  }
0x17: {  	s18 =	sadd.s32 s9, s13;
	[dreg:$0xe] =	wrdreg s1;
	s25 =	sadd.s32 s11, s13  }
0x18: {  	s1 =	simm.s32 $0x6A40;
	s9 =	simm.s32 $0x2;
	[dreg:$0xb] =	wrdreg s18  }
0x19: {  	s11 =	simm.s32 $0x5;
	s13 =	simm.s32 $0x6;
	[dreg:$0xf] =	wrdreg s25  }
0x1a: {  	s26 =	sadd.s32 s14, s24;
	s8 =	sadd.s32 s8, s21;
	s24 =	simm.s32 $0x4B0  }
0x1b: {  	s25 =	simm.s32 $0x7;
	s14 =	simm.s32 $0x0;
	[dreg:$0x3] =	wrdreg s26  }
0x1c: {  	s16 =	sadd.s32 $0x7D0, s8;
	s26 =	simm.s32 $0x640;
	s8 =	simm.s32 $0x13240  }
.LBB2_1:
0x1d: {  	s7 =	rddreg [dreg:$0x4]  }
0x1e: {  	[tilespmem:s2], [sflag:$0x7] =	stream.linear.gather [hbm4b:s7+s2], $0x190, $0x38;
	[tilespmem:$0x19640] =	vst v63  }
0x1f: {  	s21 =	rddreg [dreg:$0x5]  }
0x20: {  	[tilespmem:s22], [sflag:$0x7] =	stream.linear.gather [hbm4b:s21+s2], $0x190, $0x38;
	[tilespmem:$0x19640] =	vst v63  }
0x21: {  	s15 =	rddreg [dreg:$0x6]  }
0x22: {  	[tilespmem:s23], [sflag:$0x8] =	stream.linear.gather [hbm4b:s15+s2], $0x190, $0x38;
	[tilespmem:$0x19640] =	vst v63  }
0x23: {  	s17 =	rddreg [dreg:$0x7]  }
0x24: {  	[tilespmem:s24], [sflag:$0x8] =	stream.linear.gather [hbm4b:s17+s2], $0x190, $0x38;
	[tilespmem:$0x19640] =	vst v63  }
0x25: {  	_ =	swait.ge [sflag:s25], $0x190  }
0x26: {  	[sflag:s25] =	ssyncset.done $0x0  }
0x27: {  	[sflag:s25] =	ssyncadd.s32 $0xFFFFFE70  }
0x28: {  	_ =	swait.ge [sflag:s25], $0x190  }
0x29: {  	[sflag:s25] =	ssyncset.done $0x0  }
0x2a: {  	[sflag:s25] =	ssyncadd.s32 $0xFFFFFE70  }
0x2b: {  	[tilespmem:s26], [sflag:$0x1] =	stream.indirect.gather [hbm4b:s5+s23], $0x40, s2, s23, $0xb8;
	[tilespmem:$0x19640] =	vst v63  }
0x2c: {  	_ = 	snop  }
0x2d: {  	[tilespmem:s28], [sflag:$0x1] =	stream.indirect.gather [hbm4b:s6+s23], $0x40, s22, s23, $0xb8;
	[tilespmem:$0x19640] =	vst v63  }
0x2e: {  	_ =	swait.ge [sflag:s29], $0x6400  }
0x2f: {  	[sflag:s29] =	ssyncset.done $0x0  }
0x30: {  	[sflag:s29] =	ssyncadd.s32 $0xFFFF9C00  }
0x31: {  	_ =	swait.ge [sflag:s29], $0x6400  }
0x32: {  	[sflag:s29] =	ssyncset.done $0x0  }
0x33: {  	s18 =	rddreg [dreg:$0x8];
	[sflag:s29] =	ssyncadd.s32 $0xFFFF9C00  }
0x34: {  	[tilespmem:s2], [sflag:$0x7] =	stream.linear.gather [hbm4b:s18+s2], $0x190, $0x38;
	[tilespmem:$0x19640] =	vst v63  }
0x35: {  	s20 =	rddreg [dreg:$0x9]  }
0x36: {  	[tilespmem:s22], [sflag:$0x7] =	stream.linear.gather [hbm4b:s20+s2], $0x190, $0x38;
	[tilespmem:$0x19640] =	vst v63  }
0x37: {  	s21 =	rddreg [dreg:$0xa]  }
0x38: {  	[hbm4b:s21+s30] =	stream.strided.scatter [tilespmem:s26], [sflag:$0x3], $0x6400, s31, s30, $0x38;
	[tilespmem:$0x19640] =	vst v63  }
0x39: {  	s15 =	rddreg [dreg:$0xb]  }
0x3a: {  	[hbm4b:s15+s30] =	stream.strided.scatter [tilespmem:s28], [sflag:$0x5], $0x6400, s31, s30, $0x38;
	[tilespmem:$0x19640] =	vst v63  }
0x3b: {  	_ =	swait.ge [sflag:s0], $0x190  }
0x3c: {  	[sflag:s0] =	ssyncset.done $0x0  }
0x3d: {  	[sflag:s0] =	ssyncadd.s32 $0xFFFFFE70  }
0x3e: {  	_ =	swait.ge [sflag:s0], $0x190  }
0x3f: {  	[sflag:s0] =	ssyncset.done $0x0  }
0x40: {  	[sflag:s0] =	ssyncadd.s32 $0xFFFFFE70  }
0x41: {  	[tilespmem:s1], [sflag:$0x2] =	stream.indirect.gather [hbm4b:s5+s23], $0x40, s23, s23, $0xb8;
	[tilespmem:$0x19640] =	vst v63  }
0x42: {  	_ = 	snop  }
0x43: {  	[tilespmem:s8], [sflag:$0x2] =	stream.indirect.gather [hbm4b:s6+s23], $0x40, s24, s23, $0xb8;
	[tilespmem:$0x19640] =	vst v63  }
0x44: {  	_ =	swait.ge [sflag:s9], $0x6400  }
0x45: {  	[sflag:s9] =	ssyncset.done $0x0  }
0x46: {  	[sflag:s9] =	ssyncadd.s32 $0xFFFF9C00  }
0x47: {  	_ =	swait.ge [sflag:s9], $0x6400  }
0x48: {  	[sflag:s9] =	ssyncset.done $0x0  }
0x49: {  	s17 =	rddreg [dreg:$0xc];
	[sflag:s9] =	ssyncadd.s32 $0xFFFF9C00  }
0x4a: {  	[tilespmem:s23], [sflag:$0x8] =	stream.linear.gather [hbm4b:s17+s2], $0x190, $0x38;
	[tilespmem:$0x19640] =	vst v63  }
0x4b: {  	s18 =	rddreg [dreg:$0xd]  }
0x4c: {  	[tilespmem:s24], [sflag:$0x8] =	stream.linear.gather [hbm4b:s18+s2], $0x190, $0x38;
	[tilespmem:$0x19640] =	vst v63  }
0x4d: {  	s20 =	rddreg [dreg:$0xe]  }
0x4e: {  	[hbm4b:s20+s30] =	stream.strided.scatter [tilespmem:s1], [sflag:$0x4], $0x6400, s31, s30, $0x38;
	[tilespmem:$0x19640] =	vst v63  }
0x4f: {  	s21 =	rddreg [dreg:$0xf]  }
0x50: {  	[hbm4b:s21+s30] =	stream.strided.scatter [tilespmem:s8], [sflag:$0x6], $0x6400, s31, s30, $0x38;
	[tilespmem:$0x19640] =	vst v63  }
0x51: {  	_ =	swait.ge [sflag:s25], $0x190  }
0x52: {  	[sflag:s25] =	ssyncset.done $0x0  }
0x53: {  	[sflag:s25] =	ssyncadd.s32 $0xFFFFFE70  }
0x54: {  	_ =	swait.ge [sflag:s25], $0x190  }
0x55: {  	[sflag:s25] =	ssyncset.done $0x0  }
0x56: {  	[sflag:s25] =	ssyncadd.s32 $0xFFFFFE70  }
0x57: {  	_ =	swait.ge [sflag:s10], $0x6400  }
0x58: {  	[sflag:s10] =	ssyncset.done $0x0  }
0x59: {  	[sflag:s10] =	ssyncadd.s32 $0xFFFF9C00  }
0x5a: {  	_ =	swait.ge [sflag:s11], $0x6400  }
0x5b: {  	[sflag:s11] =	ssyncset.done $0x0  }
0x5c: {  	[sflag:s11] =	ssyncadd.s32 $0xFFFF9C00  }
0x5d: {  	[tilespmem:s26], [sflag:$0x1] =	stream.indirect.gather [hbm4b:s5+s23], $0x40, s2, s23, $0xb8;
	[tilespmem:$0x19640] =	vst v63  }
0x5e: {  	_ = 	snop  }
0x5f: {  	[tilespmem:s28], [sflag:$0x1] =	stream.indirect.gather [hbm4b:s6+s23], $0x40, s22, s23, $0xb8;
	[tilespmem:$0x19640] =	vst v63  }
0x60: {  	_ =	swait.ge [sflag:s29], $0x6400  }
0x61: {  	s15 =	sadd.s32 $0xFFFFFE70, s16;
	[sflag:s29] =	ssyncset.done $0x0  }
0x62: {  	p0 =	slt.s32 s15, s19;
	s17 =	smov.u32 s19;
	[sflag:s29] =	ssyncadd.s32 $0xFFFF9C00  }
0x63: {  	s17 =	smov.u32 @p0 s15;
	_ =	swait.ge [sflag:s29], $0x6400  }
0x64: {  	s15 =	sshrl.u32 s17, $0x3;
	[sflag:s29] =	ssyncset.done $0x0  }
0x65: {  	s17 =	sadd.s32 s3, s15;
	s21 =	rddreg [dreg:$0x3];
	[sflag:s29] =	ssyncadd.s32 $0xFFFF9C00  }
0x66: {  	[tilespmem:s2], [sflag:$0x7] =	stream.linear.gather [hbm4b:s17+s2], $0x190, $0x38;
	[tilespmem:$0x19640] =	vst v63  }
0x67: {  	s15 =	sadd.s32 s4, s15;
	s17 =	sadd.s32 $0x0, s21  }
0x68: {  	[tilespmem:s22], [sflag:$0x7] =	stream.linear.gather [hbm4b:s15+s2], $0x190, $0x38;
	[tilespmem:$0x19640] =	vst v63  }
0x69: {  	s7 =	sadd.s32 $0x3200, s17  }
0x6a: {  	[hbm4b:s7+s30] =	stream.strided.scatter [tilespmem:s26], [sflag:$0x3], $0x6400, s31, s30, $0x38;
	[tilespmem:$0x19640] =	vst v63  }
0x6b: {  	s18 =	sadd.s32 $0x3208, s17  }
0x6c: {  	[hbm4b:s18+s30] =	stream.strided.scatter [tilespmem:s28], [sflag:$0x5], $0x6400, s31, s30, $0x38;
	[tilespmem:$0x19640] =	vst v63  }
0x6d: {  	_ =	swait.ge [sflag:s0], $0x190  }
0x6e: {  	[sflag:s0] =	ssyncset.done $0x0  }
0x6f: {  	[sflag:s0] =	ssyncadd.s32 $0xFFFFFE70  }
0x70: {  	_ =	swait.ge [sflag:s0], $0x190  }
0x71: {  	[sflag:s0] =	ssyncset.done $0x0  }
0x72: {  	[sflag:s0] =	ssyncadd.s32 $0xFFFFFE70  }
0x73: {  	_ =	swait.ge [sflag:s12], $0x6400  }
0x74: {  	[sflag:s12] =	ssyncset.done $0x0  }
0x75: {  	[sflag:s12] =	ssyncadd.s32 $0xFFFF9C00  }
0x76: {  	_ =	swait.ge [sflag:s13], $0x6400  }
0x77: {  	[sflag:s13] =	ssyncset.done $0x0  }
0x78: {  	[sflag:s13] =	ssyncadd.s32 $0xFFFF9C00  }
0x79: {  	[tilespmem:s1], [sflag:$0x2] =	stream.indirect.gather [hbm4b:s5+s23], $0x40, s23, s23, $0xb8;
	[tilespmem:$0x19640] =	vst v63  }
0x7a: {  	_ = 	snop  }
0x7b: {  	[tilespmem:s8], [sflag:$0x2] =	stream.indirect.gather [hbm4b:s6+s23], $0x40, s24, s23, $0xb8;
	[tilespmem:$0x19640] =	vst v63  }
0x7c: {  	_ =	swait.ge [sflag:s9], $0x6400  }
0x7d: {  	[sflag:s9] =	ssyncset.done $0x0  }
0x7e: {  	p0 =	slt.s32 s16, s19;
	s15 =	smov.u32 s19;
	[sflag:s9] =	ssyncadd.s32 $0xFFFF9C00  }
0x7f: {  	s15 =	smov.u32 @p0 s16;
	_ =	swait.ge [sflag:s9], $0x6400  }
0x80: {  	s15 =	sshrl.u32 s15, $0x3;
	[sflag:s9] =	ssyncset.done $0x0  }
0x81: {  	s20 =	sadd.s32 s3, s15;
	[sflag:s9] =	ssyncadd.s32 $0xFFFF9C00  }
0x82: {  	[tilespmem:s23], [sflag:$0x8] =	stream.linear.gather [hbm4b:s20+s2], $0x190, $0x38;
	[tilespmem:$0x19640] =	vst v63  }
0x83: {  	s15 =	sadd.s32 s4, s15  }
0x84: {  	[tilespmem:s24], [sflag:$0x8] =	stream.linear.gather [hbm4b:s15+s2], $0x190, $0x38;
	[tilespmem:$0x19640] =	vst v63  }
0x85: {  	s21 =	sadd.s32 $0x4B00, s17  }
0x86: {  	[hbm4b:s21+s30] =	stream.strided.scatter [tilespmem:s1], [sflag:$0x4], $0x6400, s31, s30, $0x38;
	[tilespmem:$0x19640] =	vst v63  }
0x87: {  	s17 =	sadd.s32 $0x4B08, s17;
	s15 =	simm.s32 $0x3200;
	s21 =	smov.u32 s16  }
.LBB2_2:
0x88: {  	[hbm4b:s17+s30] =	stream.strided.scatter [tilespmem:s8], [sflag:$0x6], $0x6400, s31, s30, $0x38;
	[tilespmem:$0x19640] =	vst v63  }
0x89: {  	_ =	swait.ge [sflag:s25], $0x190  }
0x8a: {  	[sflag:s25] =	ssyncset.done $0x0  }
0x8b: {  	[sflag:s25] =	ssyncadd.s32 $0xFFFFFE70  }
0x8c: {  	_ =	swait.ge [sflag:s25], $0x190  }
0x8d: {  	[sflag:s25] =	ssyncset.done $0x0  }
0x8e: {  	[sflag:s25] =	ssyncadd.s32 $0xFFFFFE70  }
0x8f: {  	_ =	swait.ge [sflag:s10], $0x6400  }
0x90: {  	[sflag:s10] =	ssyncset.done $0x0  }
0x91: {  	[sflag:s10] =	ssyncadd.s32 $0xFFFF9C00  }
0x92: {  	_ =	swait.ge [sflag:s11], $0x6400  }
0x93: {  	[sflag:s11] =	ssyncset.done $0x0  }
0x94: {  	[sflag:s11] =	ssyncadd.s32 $0xFFFF9C00  }
0x95: {  	[tilespmem:s26], [sflag:$0x1] =	stream.indirect.gather [hbm4b:s5+s23], $0x40, s2, s23, $0xb8;
	[tilespmem:$0x19640] =	vst v63  }
0x96: {  	_ = 	snop  }
0x97: {  	[tilespmem:s28], [sflag:$0x1] =	stream.indirect.gather [hbm4b:s6+s23], $0x40, s22, s23, $0xb8;
	[tilespmem:$0x19640] =	vst v63  }
0x98: {  	s21 =	sadd.s32 $0x320, s21;
	_ =	swait.ge [sflag:s29], $0x6400  }
0x99: {  	s17 =	sadd.s32 $0xFFFFFE70, s21;
	[sflag:s29] =	ssyncset.done $0x0  }
0x9a: {  	s7 =	smov.u32 s19;
	p1 =	slt.s32 s17, s19;
	[sflag:s29] =	ssyncadd.s32 $0xFFFF9C00  }
0x9b: {  	s7 =	smov.u32 @p1 s17;
	_ =	swait.ge [sflag:s29], $0x6400  }
0x9c: {  	s18 =	smov.u32 s15;
	s7 =	sshrl.u32 s7, $0x3;
	[sflag:s29] =	ssyncset.done $0x0  }
0x9d: {  	s17 =	sadd.s32 s3, s7;
	s20 =	rddreg [dreg:$0x3];
	[sflag:s29] =	ssyncadd.s32 $0xFFFF9C00  }
0x9e: {  	[tilespmem:s2], [sflag:$0x7] =	stream.linear.gather [hbm4b:s17+s2], $0x190, $0x38;
	[tilespmem:$0x19640] =	vst v63  }
0x9f: {  	s7 =	sadd.s32 s4, s7;
	s17 =	sadd.s32 s18, s20  }
0xa0: {  	[tilespmem:s22], [sflag:$0x7] =	stream.linear.gather [hbm4b:s7+s2], $0x190, $0x38;
	[tilespmem:$0x19640] =	vst v63  }
0xa1: {  	s20 =	sadd.s32 $0x3200, s17  }
0xa2: {  	[hbm4b:s20+s30] =	stream.strided.scatter [tilespmem:s26], [sflag:$0x3], $0x6400, s31, s30, $0x38;
	[tilespmem:$0x19640] =	vst v63  }
0xa3: {  	s18 =	sadd.s32 $0x3208, s17  }
0xa4: {  	[hbm4b:s18+s30] =	stream.strided.scatter [tilespmem:s28], [sflag:$0x5], $0x6400, s31, s30, $0x38;
	[tilespmem:$0x19640] =	vst v63  }
0xa5: {  	_ =	swait.ge [sflag:s0], $0x190  }
0xa6: {  	[sflag:s0] =	ssyncset.done $0x0  }
0xa7: {  	[sflag:s0] =	ssyncadd.s32 $0xFFFFFE70  }
0xa8: {  	_ =	swait.ge [sflag:s0], $0x190  }
0xa9: {  	[sflag:s0] =	ssyncset.done $0x0  }
0xaa: {  	[sflag:s0] =	ssyncadd.s32 $0xFFFFFE70  }
0xab: {  	_ =	swait.ge [sflag:s12], $0x6400  }
0xac: {  	[sflag:s12] =	ssyncset.done $0x0  }
0xad: {  	[sflag:s12] =	ssyncadd.s32 $0xFFFF9C00  }
0xae: {  	_ =	swait.ge [sflag:s13], $0x6400  }
0xaf: {  	[sflag:s13] =	ssyncset.done $0x0  }
0xb0: {  	[sflag:s13] =	ssyncadd.s32 $0xFFFF9C00  }
0xb1: {  	[tilespmem:s1], [sflag:$0x2] =	stream.indirect.gather [hbm4b:s5+s23], $0x40, s23, s23, $0xb8;
	[tilespmem:$0x19640] =	vst v63  }
0xb2: {  	_ = 	snop  }
0xb3: {  	[tilespmem:s8], [sflag:$0x2] =	stream.indirect.gather [hbm4b:s6+s23], $0x40, s24, s23, $0xb8;
	[tilespmem:$0x19640] =	vst v63  }
0xb4: {  	_ =	swait.ge [sflag:s9], $0x6400  }
0xb5: {  	[sflag:s9] =	ssyncset.done $0x0  }
0xb6: {  	p1 =	slt.s32 s21, s19;
	s7 =	smov.u32 s19;
	[sflag:s9] =	ssyncadd.s32 $0xFFFF9C00  }
0xb7: {  	s7 =	smov.u32 @p1 s21;
	_ =	swait.ge [sflag:s9], $0x6400  }
0xb8: {  	s7 =	sshrl.u32 s7, $0x3;
	[sflag:s9] =	ssyncset.done $0x0  }
0xb9: {  	p0 =	sne.s32 s15, $0x5DC00;
	s20 =	sadd.s32 s3, s7;
	[sflag:s9] =	ssyncadd.s32 $0xFFFF9C00  }
0xba: {  	[tilespmem:s23], [sflag:$0x8] =	stream.linear.gather [hbm4b:s20+s2], $0x190, $0x38;
	[tilespmem:$0x19640] =	vst v63  }
.Ltmp0:
0xbb: {  	_ = 	snop;
	(pc) =	sbr.rel @p0 .LBB2_2-.Ltmp0, $4  }
0xbc: {  	s7 =	sadd.s32 s4, s7  }
0xbd: {  	[tilespmem:s24], [sflag:$0x8] =	stream.linear.gather [hbm4b:s7+s2], $0x190, $0x38;
	[tilespmem:$0x19640] =	vst v63  }
0xbe: {  	s15 =	sadd.s32 $0x3200, s15;
	s20 =	sadd.s32 $0x4B00, s17;
	s17 =	sadd.s32 $0x4B08, s17  }
0xbf: {  	[hbm4b:s20+s30] =	stream.strided.scatter [tilespmem:s1], [sflag:$0x4], $0x6400, s31, s30, $0x38;
	[tilespmem:$0x19640] =	vst v63  }
0xc0: {  	[hbm4b:s17+s30] =	stream.strided.scatter [tilespmem:s8], [sflag:$0x6], $0x6400, s31, s30, $0x38;
	[tilespmem:$0x19640] =	vst v63  }
0xc1: {  	_ =	swait.ge [sflag:s25], $0x190  }
0xc2: {  	[sflag:s25] =	ssyncset.done $0x0  }
0xc3: {  	[sflag:s25] =	ssyncadd.s32 $0xFFFFFE70  }
0xc4: {  	_ =	swait.ge [sflag:s25], $0x190  }
0xc5: {  	[sflag:s25] =	ssyncset.done $0x0  }
0xc6: {  	[sflag:s25] =	ssyncadd.s32 $0xFFFFFE70  }
0xc7: {  	_ =	swait.ge [sflag:s10], $0x6400  }
0xc8: {  	[sflag:s10] =	ssyncset.done $0x0  }
0xc9: {  	[sflag:s10] =	ssyncadd.s32 $0xFFFF9C00  }
0xca: {  	_ =	swait.ge [sflag:s11], $0x6400  }
0xcb: {  	[sflag:s11] =	ssyncset.done $0x0  }
0xcc: {  	[sflag:s11] =	ssyncadd.s32 $0xFFFF9C00  }
0xcd: {  	_ =	swait.ge [sflag:s0], $0x190  }
0xce: {  	[sflag:s0] =	ssyncset.done $0x0  }
0xcf: {  	[sflag:s0] =	ssyncadd.s32 $0xFFFFFE70  }
0xd0: {  	_ =	swait.ge [sflag:s0], $0x190  }
0xd1: {  	[sflag:s0] =	ssyncset.done $0x0  }
0xd2: {  	[sflag:s0] =	ssyncadd.s32 $0xFFFFFE70  }
0xd3: {  	_ =	swait.ge [sflag:s12], $0x6400  }
0xd4: {  	[sflag:s12] =	ssyncset.done $0x0  }
0xd5: {  	[sflag:s12] =	ssyncadd.s32 $0xFFFF9C00  }
0xd6: {  	_ =	swait.ge [sflag:s13], $0x6400  }
0xd7: {  	s14 =	sadd.s32 $0x1, s14;
	s7 =	rddreg [dreg:$0x10]  }
0xd8: {  	p0 =	sne.s32 s14, s7  }
.Ltmp1:
0xd9: {  	_ = 	snop;
	(pc) =	sbr.rel @p0 .LBB2_1-.Ltmp1, $3  }
0xda: {  	_ =	sdelay $0x1  }
0xdb: {  	[sflag:s13] =	ssyncset.done $0x0  }
0xdc: {  	[sflag:s13] =	ssyncadd.s32 $0xFFFF9C00  }
0xdd: {  	_ =	sfence.sel $0x180000  }
0xde: {  	[bflag:$0x0] =	sbarrier.arrive $0xFFFF  }
0xdf: {  	_ =	strace $0x90000047  }
0xe0: {  	s0 =	stileid.u32;
	[bflag:$0x2] =	sbarrier.arrive $0xFFFF  }
0xe1: {  	p0 =	sne.s32 s0, $0x0;
	s0 =	rddreg [dreg:$0x2]  }
0xe2: {  	s0 =	sadd.s32 @!p0 $0x100000, s0  }
0xe3: {  	[sflag:s0] =	ssyncadd.tile.s32 @!p0 $0x1;
	_ =	shalt  }
.Lfunc_end2:
_tile_overlayer_lowered:
.L_overlay_start_2:
0xe4: {  	(tag) =	ssettag $0x2  }
0xe5: {  	s0 =	rddreg [dreg:$0x0];
	s2 =	stileid.u32  }
0xe6: {  	s1 =	rddreg [dreg:$0x1];
	p0 =	sne.s32 s2, $0x0  }
0xe7: {  	s3 =	rddreg [dreg:$0x2];
	[bflag:$0x3] =	sbarrier.arrive $0xFFFF;
	s2 =	simm.s32 @!p0 $0x1C09  }
0xe8: {  	[timem:s3], [sflag:s2] =	dma.local @!p0 [hbm:s0], s1  }
0xe9: {  	s0 =	simm.s32 @!p0 $0x9  }
0xea: {  	_ =	swait.ge @!p0 [sflag:s0], s1  }
0xeb: {  	s1 =	ssub.s32 @!p0 $0x0, s1;
	[sflag:s0] =	ssyncset.done @!p0 $0x0  }
0xec: {  	[sflag:s0] =	ssyncadd.s32 @!p0 s1  }
0xed: {  	[bflag:$0x3] =	sbarrier.arrive $0xFFFF  }
0xee: {  	_ =	shalt  }

</sc_bundles>
